<compile_context>
chip_gen: v7x
topology: tpu7x:2x2x1
jax: 0.10.2.dev20260603
libtpu: 0.0.44.dev20260713+nightly
codegen_flags: <defaults>
</compile_context>

<pallas_src>
import functools
import math

import jax
import jax.numpy as jnp
from jax import lax
from jax.experimental import pallas as pl
from jax.experimental.pallas import tpu as pltpu
from jax.experimental.pallas import tpu_sc as plsc

VOCAB = 100000
DIM = 128
LANES = 16
SCALE = math.sqrt(DIM)

NC = 2
NS = 16
NW = NC * NS

B = 4096 * 200
CHUNK = 128
B_PER_W = B // NW
NCHUNK = B_PER_W // CHUNK

_mesh = plsc.VectorSubcoreMesh(core_axis_name="c", subcore_axis_name="s")


@functools.partial(
    pl.kernel,
    out_type=jax.ShapeDtypeStruct((B * DIM,), jnp.float32),
    mesh=_mesh,
    scratch_types=[
        pltpu.VMEM((NCHUNK, CHUNK), jnp.int32),
        pltpu.VMEM((CHUNK, DIM), jnp.float32),
        pltpu.VMEM((CHUNK, DIM), jnp.float32),
        pltpu.VMEM((CHUNK * DIM,), jnp.float32),
        pltpu.VMEM((CHUNK * DIM,), jnp.float32),
        pltpu.VMEM((CHUNK * DIM,), jnp.float32),
        pltpu.VMEM((CHUNK * DIM,), jnp.float32),
        pltpu.SemaphoreType.DMA,
        pltpu.SemaphoreType.DMA,
        pltpu.SemaphoreType.DMA,
        pltpu.SemaphoreType.DMA,
        pltpu.SemaphoreType.DMA,
        pltpu.SemaphoreType.DMA,
    ],
)
def _emb_lookup(x_hbm, table_hbm, out_hbm, idx_v, in0, in1,
                out0, out1, out2, out3, g0, g1, s0, s1, s2, s3):
    wid = lax.axis_index("s") * NC + lax.axis_index("c")
    base = wid * B_PER_W

    ins = (in0, in1)
    outs = (out0, out1, out2, out3)
    gsems = (g0, g1)
    ssems = (s0, s1, s2, s3)

    pltpu.sync_copy(x_hbm.at[wid], idx_v)

    def start_gather(c, b):
        pltpu.async_copy(table_hbm.at[idx_v.at[c]], ins[b], gsems[b])

    def wait_gather(c, b):
        pltpu.make_async_copy(table_hbm.at[idx_v.at[c]], ins[b],
                              gsems[b]).wait()

    def start_scatter(c, b):
        off = (base + c * CHUNK) * DIM
        pltpu.async_copy(outs[b], out_hbm.at[pl.ds(off, CHUNK * DIM)],
                         ssems[b])

    def wait_scatter(b):
        pltpu.make_async_copy(outs[b], out_hbm.at[pl.ds(0, CHUNK * DIM)],
                              ssems[b]).wait()

    start_gather(0, 0)
    start_gather(1, 1)

    @pl.loop(0, NCHUNK, step=4)
    def _chunks(c):
        for j in range(4):
            cc = c + j
            bi = j % 2
            bo = j
            wait_gather(cc, bi)

            @pl.when(cc >= 4)
            def _():
                wait_scatter(bo)

            @plsc.parallel_loop(0, CHUNK, unroll=2)
            def _scale(r):
                vals = [ins[bi][r, pl.ds(l * LANES, LANES)]
                        for l in range(DIM // LANES)]
                for l in range(DIM // LANES):
                    outs[bo][pl.ds(r * DIM + l * LANES, LANES)] = (
                        vals[l] * SCALE)

            @pl.when(cc + 2 < NCHUNK)
            def _():
                start_gather(cc + 2, bi)

            start_scatter(cc, bo)

    for b in range(4):
        wait_scatter(b)


def kernel(x, table):
    xw = x.reshape(NW, NCHUNK, CHUNK).astype(jnp.int32)
    out = _emb_lookup(xw, table)
    return out.reshape(x.shape[0], x.shape[1], DIM)

# --- scband reference (transcript-rebuilt; emitter-appended) ---
"""Pipeline reference for scband-input-embeddings-24919400251809 (READ-ONLY COPY).

The authoritative reference and input builder live on the scoring server;
editing this copy changes nothing except your own understanding.
"""

import jax, jax.numpy as jnp
import numpy as np
import math

VOCAB = 100000
DIM = 128

def setup_inputs(seed: int = 0) -> dict:
    key = jax.random.key(seed)
    k1, k2 = jax.random.split(key)
    x = jax.random.randint(k1, (4096, 200), 0, VOCAB, dtype=jnp.int64) if jax.config.jax_enable_x64 else jax.random.randint(k1, (4096, 200), 0, VOCAB, dtype=jnp.int32)
    table = jax.random.normal(k2, (VOCAB, DIM), dtype=jnp.float32)
    return {"x": x, "table": table}

def reference(x, table):
    # InputEmbeddings.forward: embedding lookup scaled by sqrt(d_model)
    emb = jnp.take(table, x, axis=0)
    return emb * math.sqrt(DIM)

if __name__ == "__main__":
    import jax
    _d = setup_inputs()
    print(jax.jit(kernel)(*tuple(_d.values())))

</pallas_src>

<mosaic_0001>
#map = affine_map<(d0, d1) -> (0, 0, 0)>
#map1 = affine_map<(d0, d1) -> (0, 0)>
#map2 = affine_map<(d0, d1) -> (0)>
module attributes {stable_mosaic.version = 14 : i64} {
  func.func @_emb_lookup(%arg0: i32, %arg1: i32, %arg2: memref<32x200x128xi32, #tpu.memory_space<hbm>>, %arg3: memref<100000x128xf32, #tpu.memory_space<hbm>>, %arg4: memref<104857600xf32, #tpu.memory_space<hbm>>, %arg5: memref<200x128xi32, #tpu.memory_space<vmem>>, %arg6: memref<128x128xf32, #tpu.memory_space<vmem>>, %arg7: memref<128x128xf32, #tpu.memory_space<vmem>>, %arg8: memref<16384xf32, #tpu.memory_space<vmem>>, %arg9: memref<16384xf32, #tpu.memory_space<vmem>>, %arg10: memref<16384xf32, #tpu.memory_space<vmem>>, %arg11: memref<16384xf32, #tpu.memory_space<vmem>>, %arg12: memref<!tpu.dma_semaphore, #tpu.memory_space<semaphore_mem>>, %arg13: memref<!tpu.dma_semaphore, #tpu.memory_space<semaphore_mem>>, %arg14: memref<!tpu.dma_semaphore, #tpu.memory_space<semaphore_mem>>, %arg15: memref<!tpu.dma_semaphore, #tpu.memory_space<semaphore_mem>>, %arg16: memref<!tpu.dma_semaphore, #tpu.memory_space<semaphore_mem>>, %arg17: memref<!tpu.dma_semaphore, #tpu.memory_space<semaphore_mem>>) attributes {dimension_semantics = [#tpu.dimension_semantics<core_parallel>, #tpu.dimension_semantics<subcore_parallel>], iteration_bounds = array<i64: 2, 16>, scalar_prefetch = 0 : i64, scratch_operands = 13 : i64, tpu.core_type = #tpu.core_type<sc_vector_subcore>, window_params = [{transform_indices = #map}, {transform_indices = #map1}, {transform_indices = #map2}]} {
    %mul3A = arith.constant 2 : i32
    %mul3A_0 = arith.muli %arg1, %mul3A : i32
    %add3A = arith.addi %mul3A_0, %arg0 : i32
    %mul3A_1 = arith.constant 25600 : i32
    %mul3A_2 = arith.muli %add3A, %mul3A_1 : i32
    "tpu.region"() ({
      %run_scoped3A = tpu.sem_alloc : memref<!tpu.dma_semaphore, #tpu.memory_space<semaphore_mem>>
      %dma_start3A_35 = arith.constant 0 : i32
      %dma_start3A_36 = arith.constant 0 : i32
      %dma_start3A_37 = tpu.memref_slice %arg2[%add3A, %dma_start3A_35, %dma_start3A_36] : memref<32x200x128xi32, #tpu.memory_space<hbm>> -> memref<1x200x128xi32, #tpu.memory_space<hbm>>
      %dma_start3A_38 = tpu.memref_squeeze %dma_start3A_37 : memref<1x200x128xi32, #tpu.memory_space<hbm>> -> memref<200x128xi32, #tpu.memory_space<hbm>>
      %dma_start3A_39 = arith.constant 0 : i32
      %dma_start3A_40 = arith.constant 0 : i32
      %dma_start3A_41 = tpu.memref_slice %arg2[%add3A, %dma_start3A_39, %dma_start3A_40] : memref<32x200x128xi32, #tpu.memory_space<hbm>> -> memref<1x200x128xi32, #tpu.memory_space<hbm>>
      %dma_start3A_42 = tpu.memref_squeeze %dma_start3A_41 : memref<1x200x128xi32, #tpu.memory_space<hbm>> -> memref<200x128xi32, #tpu.memory_space<hbm>>
      tpu.enqueue_dma source(%dma_start3A_42 : memref<200x128xi32, #tpu.memory_space<hbm>>) target(%arg5 : memref<200x128xi32, #tpu.memory_space<vmem>>) target_semaphore(%run_scoped3A : memref<!tpu.dma_semaphore, #tpu.memory_space<semaphore_mem>>)
      %dma_wait3A_43 = arith.constant 0 : i32
      %dma_wait3A_44 = arith.constant 0 : i32
      %dma_wait3A_45 = tpu.memref_slice %arg2[%add3A, %dma_wait3A_43, %dma_wait3A_44] : memref<32x200x128xi32, #tpu.memory_space<hbm>> -> memref<1x200x128xi32, #tpu.memory_space<hbm>>
      %dma_wait3A_46 = tpu.memref_squeeze %dma_wait3A_45 : memref<1x200x128xi32, #tpu.memory_space<hbm>> -> memref<200x128xi32, #tpu.memory_space<hbm>>
      %dma_wait3A_47 = arith.constant 0 : i32
      %dma_wait3A_48 = arith.constant 0 : i32
      %dma_wait3A_49 = tpu.memref_slice %arg2[%add3A, %dma_wait3A_47, %dma_wait3A_48] : memref<32x200x128xi32, #tpu.memory_space<hbm>> -> memref<1x200x128xi32, #tpu.memory_space<hbm>>
      %dma_wait3A_50 = tpu.memref_squeeze %dma_wait3A_49 : memref<1x200x128xi32, #tpu.memory_space<hbm>> -> memref<200x128xi32, #tpu.memory_space<hbm>>
      tpu.wait_dma2 semaphore(%run_scoped3A : memref<!tpu.dma_semaphore, #tpu.memory_space<semaphore_mem>>) src(%dma_wait3A_50 : memref<200x128xi32, #tpu.memory_space<hbm>>) dst(%arg5 : memref<200x128xi32, #tpu.memory_space<vmem>>)
      tpu.yield
    }) : () -> ()
    %dma_start3A = arith.constant 0 : i32
    %dma_start3A_3 = arith.constant 0 : i32
    %dma_start3A_4 = tpu.memref_slice %arg5[%dma_start3A, %dma_start3A_3] : memref<200x128xi32, #tpu.memory_space<vmem>> -> memref<1x128xi32, #tpu.memory_space<vmem>>
    %dma_start3A_5 = tpu.memref_squeeze %dma_start3A_4 : memref<1x128xi32, #tpu.memory_space<vmem>> -> memref<128xi32, #tpu.memory_space<vmem>>
    %dma_start3A_6 = arith.constant 0 : i32
    %dma_start3A_7 = arith.constant 0 : i32
    %dma_start3A_8 = tpu.memref_slice %arg3[%dma_start3A_6, %dma_start3A_7] : memref<100000x128xf32, #tpu.memory_space<hbm>> -> memref<100000x128xf32, #tpu.memory_space<hbm>>
    tpu.enqueue_indirect_dma source(%dma_start3A_8 : memref<100000x128xf32, #tpu.memory_space<hbm>>) target(%arg6 : memref<128x128xf32, #tpu.memory_space<vmem>>) offsets(%dma_start3A_5 : memref<128xi32, #tpu.memory_space<vmem>>) semaphore(%arg12 : memref<!tpu.dma_semaphore, #tpu.memory_space<semaphore_mem>>)
    %dma_start3A_9 = arith.constant 1 : i32
    %dma_start3A_10 = arith.constant 0 : i32
    %dma_start3A_11 = tpu.memref_slice %arg5[%dma_start3A_9, %dma_start3A_10] : memref<200x128xi32, #tpu.memory_space<vmem>> -> memref<1x128xi32, #tpu.memory_space<vmem>>
    %dma_start3A_12 = tpu.memref_squeeze %dma_start3A_11 : memref<1x128xi32, #tpu.memory_space<vmem>> -> memref<128xi32, #tpu.memory_space<vmem>>
    %dma_start3A_13 = arith.constant 0 : i32
    %dma_start3A_14 = arith.constant 0 : i32
    %dma_start3A_15 = tpu.memref_slice %arg3[%dma_start3A_13, %dma_start3A_14] : memref<100000x128xf32, #tpu.memory_space<hbm>> -> memref<100000x128xf32, #tpu.memory_space<hbm>>
    tpu.enqueue_indirect_dma source(%dma_start3A_15 : memref<100000x128xf32, #tpu.memory_space<hbm>>) target(%arg7 : memref<128x128xf32, #tpu.memory_space<vmem>>) offsets(%dma_start3A_12 : memref<128xi32, #tpu.memory_space<vmem>>) semaphore(%arg13 : memref<!tpu.dma_semaphore, #tpu.memory_space<semaphore_mem>>)
    %scan3A = arith.constant 0 : i32
    %scan3A_16 = arith.constant 50 : i32
    %scan3A_17 = arith.addi %scan3A, %scan3A_16 : i32
    %scan3A_18 = arith.constant 1 : i32
    scf.for %scan3A_35 = %scan3A to %scan3A_17 step %scan3A_18  : i32 {
      %mul3A_36 = arith.constant 4 : i32
      %mul3A_37 = arith.muli %scan3A_35, %mul3A_36 : i32
      %add3A_38 = arith.constant 0 : i32
      %add3A_39 = arith.addi %add3A_38, %mul3A_37 : i32
      %add3A_40 = arith.constant 0 : i32
      %add3A_41 = arith.addi %add3A_39, %add3A_40 : i32
      %dma_wait3A_42 = arith.constant 0 : i32
      %dma_wait3A_43 = tpu.memref_slice %arg5[%add3A_41, %dma_wait3A_42] : memref<200x128xi32, #tpu.memory_space<vmem>> -> memref<1x128xi32, #tpu.memory_space<vmem>>
      %dma_wait3A_44 = tpu.memref_squeeze %dma_wait3A_43 : memref<1x128xi32, #tpu.memory_space<vmem>> -> memref<128xi32, #tpu.memory_space<vmem>>
      %dma_wait3A_45 = arith.constant 0 : i32
      %dma_wait3A_46 = arith.constant 0 : i32
      %dma_wait3A_47 = tpu.memref_slice %arg3[%dma_wait3A_45, %dma_wait3A_46] : memref<100000x128xf32, #tpu.memory_space<hbm>> -> memref<100000x128xf32, #tpu.memory_space<hbm>>
      tpu.wait_indirect_dma semaphore(%arg12 : memref<!tpu.dma_semaphore, #tpu.memory_space<semaphore_mem>>) src(%dma_wait3A_47 : memref<100000x128xf32, #tpu.memory_space<hbm>>) dst(%arg6 : memref<128x128xf32, #tpu.memory_space<vmem>>)
      %ge3A = arith.constant 4 : i32
      %ge3A_48 = arith.cmpi sge, %add3A_41, %ge3A : i32
      %convert_element_type3A = arith.extui %ge3A_48 : i1 to i32
      %cond3A = arith.constant 0 : i32
      %cond3A_49 = arith.cmpi ne, %convert_element_type3A, %cond3A : i32
      scf.if %cond3A_49 {
        %dma_wait3A_155 = arith.constant 0 : i32
        %dma_wait3A_156 = tpu.memref_slice %arg4[%dma_wait3A_155] : memref<104857600xf32, #tpu.memory_space<hbm>> -> memref<16384xf32, #tpu.memory_space<hbm>>
        %dma_wait3A_157 = arith.constant 0 : i32
        %dma_wait3A_158 = tpu.memref_slice %arg4[%dma_wait3A_157] : memref<104857600xf32, #tpu.memory_space<hbm>> -> memref<16384xf32, #tpu.memory_space<hbm>>
        tpu.wait_dma2 semaphore(%arg14 : memref<!tpu.dma_semaphore, #tpu.memory_space<semaphore_mem>>) src(%arg8 : memref<16384xf32, #tpu.memory_space<vmem>>) dst(%dma_wait3A_158 : memref<16384xf32, #tpu.memory_space<hbm>>)
      } else {
      }
      %parallel_loop3A = arith.constant 0 : i32
      %parallel_loop3A_50 = arith.constant 128 : i32
      %parallel_loop3A_51 = arith.constant 1 : i32
      scf.for %parallel_loop3A_155 = %parallel_loop3A to %parallel_loop3A_50 step %parallel_loop3A_51  : i32 {
        %parallel_loop3A_156 = arith.index_cast %parallel_loop3A_155 : i32 to index
        %parallel_loop3A_157 = arith.constant 0 : index
        %parallel_loop3A_158 = tpu.vector_load %arg6[%parallel_loop3A_156, %parallel_loop3A_157] {strides = array<i32>} : memref<128x128xf32, #tpu.memory_space<vmem>>, vector<1x16xf32>,
        %parallel_loop3A_159 = vector.shape_cast %parallel_loop3A_158 : vector<1x16xf32> to vector<16xf32>
        %parallel_loop3A_160 = arith.index_cast %parallel_loop3A_155 : i32 to index
        %parallel_loop3A_161 = arith.constant 16 : index
        %parallel_loop3A_162 = tpu.vector_load %arg6[%parallel_loop3A_160, %parallel_loop3A_161] {strides = array<i32>} : memref<128x128xf32, #tpu.memory_space<vmem>>, vector<1x16xf32>,
        %parallel_loop3A_163 = vector.shape_cast %parallel_loop3A_162 : vector<1x16xf32> to vector<16xf32>
        %parallel_loop3A_164 = arith.index_cast %parallel_loop3A_155 : i32 to index
        %parallel_loop3A_165 = arith.constant 32 : index
        %parallel_loop3A_166 = tpu.vector_load %arg6[%parallel_loop3A_164, %parallel_loop3A_165] {strides = array<i32>} : memref<128x128xf32, #tpu.memory_space<vmem>>, vector<1x16xf32>,
        %parallel_loop3A_167 = vector.shape_cast %parallel_loop3A_166 : vector<1x16xf32> to vector<16xf32>
        %parallel_loop3A_168 = arith.index_cast %parallel_loop3A_155 : i32 to index
        %parallel_loop3A_169 = arith.constant 48 : index
        %parallel_loop3A_170 = tpu.vector_load %arg6[%parallel_loop3A_168, %parallel_loop3A_169] {strides = array<i32>} : memref<128x128xf32, #tpu.memory_space<vmem>>, vector<1x16xf32>,
        %parallel_loop3A_171 = vector.shape_cast %parallel_loop3A_170 : vector<1x16xf32> to vector<16xf32>
        %parallel_loop3A_172 = arith.index_cast %parallel_loop3A_155 : i32 to index
        %parallel_loop3A_173 = arith.constant 64 : index
        %parallel_loop3A_174 = tpu.vector_load %arg6[%parallel_loop3A_172, %parallel_loop3A_173] {strides = array<i32>} : memref<128x128xf32, #tpu.memory_space<vmem>>, vector<1x16xf32>,
        %parallel_loop3A_175 = vector.shape_cast %parallel_loop3A_174 : vector<1x16xf32> to vector<16xf32>
        %parallel_loop3A_176 = arith.index_cast %parallel_loop3A_155 : i32 to index
        %parallel_loop3A_177 = arith.constant 80 : index
        %parallel_loop3A_178 = tpu.vector_load %arg6[%parallel_loop3A_176, %parallel_loop3A_177] {strides = array<i32>} : memref<128x128xf32, #tpu.memory_space<vmem>>, vector<1x16xf32>,
        %parallel_loop3A_179 = vector.shape_cast %parallel_loop3A_178 : vector<1x16xf32> to vector<16xf32>
        %parallel_loop3A_180 = arith.index_cast %parallel_loop3A_155 : i32 to index
        %parallel_loop3A_181 = arith.constant 96 : index
        %parallel_loop3A_182 = tpu.vector_load %arg6[%parallel_loop3A_180, %parallel_loop3A_181] {strides = array<i32>} : memref<128x128xf32, #tpu.memory_space<vmem>>, vector<1x16xf32>,
        %parallel_loop3A_183 = vector.shape_cast %parallel_loop3A_182 : vector<1x16xf32> to vector<16xf32>
        %parallel_loop3A_184 = arith.index_cast %parallel_loop3A_155 : i32 to index
        %parallel_loop3A_185 = arith.constant 112 : index
        %parallel_loop3A_186 = tpu.vector_load %arg6[%parallel_loop3A_184, %parallel_loop3A_185] {strides = array<i32>} : memref<128x128xf32, #tpu.memory_space<vmem>>, vector<1x16xf32>,
        %parallel_loop3A_187 = vector.shape_cast %parallel_loop3A_186 : vector<1x16xf32> to vector<16xf32>
        %parallel_loop3A_188 = arith.constant 11.3137083 : f32
        %parallel_loop3A_189 = vector.broadcast %parallel_loop3A_188 : f32 to vector<16xf32>
        %parallel_loop3A_190 = arith.mulf %parallel_loop3A_159, %parallel_loop3A_189 : vector<16xf32>
        %parallel_loop3A_191 = arith.constant 128 : i32
        %parallel_loop3A_192 = arith.muli %parallel_loop3A_155, %parallel_loop3A_191 : i32
        %parallel_loop3A_193 = arith.constant 0 : i32
        %parallel_loop3A_194 = arith.addi %parallel_loop3A_192, %parallel_loop3A_193 : i32
        %parallel_loop3A_195 = arith.index_cast %parallel_loop3A_194 : i32 to index
        %parallel_loop3A_196 = tpu.vector_load %arg8[%parallel_loop3A_195] {strides = array<i32>} : memref<16384xf32, #tpu.memory_space<vmem>>, vector<16xf32>,
        %parallel_loop3A_197 = vector.shape_cast %parallel_loop3A_196 : vector<16xf32> to vector<16xf32>
        %parallel_loop3A_198 = vector.shape_cast %parallel_loop3A_190 : vector<16xf32> to vector<16xf32>
        tpu.vector_store %arg8[%parallel_loop3A_195], %parallel_loop3A_198 {strides = array<i32>} : memref<16384xf32, #tpu.memory_space<vmem>>, vector<16xf32>,
        %parallel_loop3A_199 = arith.constant 11.3137083 : f32
        %parallel_loop3A_200 = vector.broadcast %parallel_loop3A_199 : f32 to vector<16xf32>
        %parallel_loop3A_201 = arith.mulf %parallel_loop3A_163, %parallel_loop3A_200 : vector<16xf32>
        %parallel_loop3A_202 = arith.constant 128 : i32
        %parallel_loop3A_203 = arith.muli %parallel_loop3A_155, %parallel_loop3A_202 : i32
        %parallel_loop3A_204 = arith.constant 16 : i32
        %parallel_loop3A_205 = arith.addi %parallel_loop3A_203, %parallel_loop3A_204 : i32
        %parallel_loop3A_206 = arith.index_cast %parallel_loop3A_205 : i32 to index
        %parallel_loop3A_207 = tpu.vector_load %arg8[%parallel_loop3A_206] {strides = array<i32>} : memref<16384xf32, #tpu.memory_space<vmem>>, vector<16xf32>,
        %parallel_loop3A_208 = vector.shape_cast %parallel_loop3A_207 : vector<16xf32> to vector<16xf32>
        %parallel_loop3A_209 = vector.shape_cast %parallel_loop3A_201 : vector<16xf32> to vector<16xf32>
        tpu.vector_store %arg8[%parallel_loop3A_206], %parallel_loop3A_209 {strides = array<i32>} : memref<16384xf32, #tpu.memory_space<vmem>>, vector<16xf32>,
        %parallel_loop3A_210 = arith.constant 11.3137083 : f32
        %parallel_loop3A_211 = vector.broadcast %parallel_loop3A_210 : f32 to vector<16xf32>
        %parallel_loop3A_212 = arith.mulf %parallel_loop3A_167, %parallel_loop3A_211 : vector<16xf32>
        %parallel_loop3A_213 = arith.constant 128 : i32
        %parallel_loop3A_214 = arith.muli %parallel_loop3A_155, %parallel_loop3A_213 : i32
        %parallel_loop3A_215 = arith.constant 32 : i32
        %parallel_loop3A_216 = arith.addi %parallel_loop3A_214, %parallel_loop3A_215 : i32
        %parallel_loop3A_217 = arith.index_cast %parallel_loop3A_216 : i32 to index
        %parallel_loop3A_218 = tpu.vector_load %arg8[%parallel_loop3A_217] {strides = array<i32>} : memref<16384xf32, #tpu.memory_space<vmem>>, vector<16xf32>,
        %parallel_loop3A_219 = vector.shape_cast %parallel_loop3A_218 : vector<16xf32> to vector<16xf32>
        %parallel_loop3A_220 = vector.shape_cast %parallel_loop3A_212 : vector<16xf32> to vector<16xf32>
        tpu.vector_store %arg8[%parallel_loop3A_217], %parallel_loop3A_220 {strides = array<i32>} : memref<16384xf32, #tpu.memory_space<vmem>>, vector<16xf32>,
        %parallel_loop3A_221 = arith.constant 11.3137083 : f32
        %parallel_loop3A_222 = vector.broadcast %parallel_loop3A_221 : f32 to vector<16xf32>
        %parallel_loop3A_223 = arith.mulf %parallel_loop3A_171, %parallel_loop3A_222 : vector<16xf32>
        %parallel_loop3A_224 = arith.constant 128 : i32
        %parallel_loop3A_225 = arith.muli %parallel_loop3A_155, %parallel_loop3A_224 : i32
        %parallel_loop3A_226 = arith.constant 48 : i32
        %parallel_loop3A_227 = arith.addi %parallel_loop3A_225, %parallel_loop3A_226 : i32
        %parallel_loop3A_228 = arith.index_cast %parallel_loop3A_227 : i32 to index
        %parallel_loop3A_229 = tpu.vector_load %arg8[%parallel_loop3A_228] {strides = array<i32>} : memref<16384xf32, #tpu.memory_space<vmem>>, vector<16xf32>,
        %parallel_loop3A_230 = vector.shape_cast %parallel_loop3A_229 : vector<16xf32> to vector<16xf32>
        %parallel_loop3A_231 = vector.shape_cast %parallel_loop3A_223 : vector<16xf32> to vector<16xf32>
        tpu.vector_store %arg8[%parallel_loop3A_228], %parallel_loop3A_231 {strides = array<i32>} : memref<16384xf32, #tpu.memory_space<vmem>>, vector<16xf32>,
        %parallel_loop3A_232 = arith.constant 11.3137083 : f32
        %parallel_loop3A_233 = vector.broadcast %parallel_loop3A_232 : f32 to vector<16xf32>
        %parallel_loop3A_234 = arith.mulf %parallel_loop3A_175, %parallel_loop3A_233 : vector<16xf32>
        %parallel_loop3A_235 = arith.constant 128 : i32
        %parallel_loop3A_236 = arith.muli %parallel_loop3A_155, %parallel_loop3A_235 : i32
        %parallel_loop3A_237 = arith.constant 64 : i32
        %parallel_loop3A_238 = arith.addi %parallel_loop3A_236, %parallel_loop3A_237 : i32
        %parallel_loop3A_239 = arith.index_cast %parallel_loop3A_238 : i32 to index
        %parallel_loop3A_240 = tpu.vector_load %arg8[%parallel_loop3A_239] {strides = array<i32>} : memref<16384xf32, #tpu.memory_space<vmem>>, vector<16xf32>,
        %parallel_loop3A_241 = vector.shape_cast %parallel_loop3A_240 : vector<16xf32> to vector<16xf32>
        %parallel_loop3A_242 = vector.shape_cast %parallel_loop3A_234 : vector<16xf32> to vector<16xf32>
        tpu.vector_store %arg8[%parallel_loop3A_239], %parallel_loop3A_242 {strides = array<i32>} : memref<16384xf32, #tpu.memory_space<vmem>>, vector<16xf32>,
        %parallel_loop3A_243 = arith.constant 11.3137083 : f32
        %parallel_loop3A_244 = vector.broadcast %parallel_loop3A_243 : f32 to vector<16xf32>
        %parallel_loop3A_245 = arith.mulf %parallel_loop3A_179, %parallel_loop3A_244 : vector<16xf32>
        %parallel_loop3A_246 = arith.constant 128 : i32
        %parallel_loop3A_247 = arith.muli %parallel_loop3A_155, %parallel_loop3A_246 : i32
        %parallel_loop3A_248 = arith.constant 80 : i32
        %parallel_loop3A_249 = arith.addi %parallel_loop3A_247, %parallel_loop3A_248 : i32
        %parallel_loop3A_250 = arith.index_cast %parallel_loop3A_249 : i32 to index
        %parallel_loop3A_251 = tpu.vector_load %arg8[%parallel_loop3A_250] {strides = array<i32>} : memref<16384xf32, #tpu.memory_space<vmem>>, vector<16xf32>,
        %parallel_loop3A_252 = vector.shape_cast %parallel_loop3A_251 : vector<16xf32> to vector<16xf32>
        %parallel_loop3A_253 = vector.shape_cast %parallel_loop3A_245 : vector<16xf32> to vector<16xf32>
        tpu.vector_store %arg8[%parallel_loop3A_250], %parallel_loop3A_253 {strides = array<i32>} : memref<16384xf32, #tpu.memory_space<vmem>>, vector<16xf32>,
        %parallel_loop3A_254 = arith.constant 11.3137083 : f32
        %parallel_loop3A_255 = vector.broadcast %parallel_loop3A_254 : f32 to vector<16xf32>
        %parallel_loop3A_256 = arith.mulf %parallel_loop3A_183, %parallel_loop3A_255 : vector<16xf32>
        %parallel_loop3A_257 = arith.constant 128 : i32
        %parallel_loop3A_258 = arith.muli %parallel_loop3A_155, %parallel_loop3A_257 : i32
        %parallel_loop3A_259 = arith.constant 96 : i32
        %parallel_loop3A_260 = arith.addi %parallel_loop3A_258, %parallel_loop3A_259 : i32
        %parallel_loop3A_261 = arith.index_cast %parallel_loop3A_260 : i32 to index
        %parallel_loop3A_262 = tpu.vector_load %arg8[%parallel_loop3A_261] {strides = array<i32>} : memref<16384xf32, #tpu.memory_space<vmem>>, vector<16xf32>,
        %parallel_loop3A_263 = vector.shape_cast %parallel_loop3A_262 : vector<16xf32> to vector<16xf32>
        %parallel_loop3A_264 = vector.shape_cast %parallel_loop3A_256 : vector<16xf32> to vector<16xf32>
        tpu.vector_store %arg8[%parallel_loop3A_261], %parallel_loop3A_264 {strides = array<i32>} : memref<16384xf32, #tpu.memory_space<vmem>>, vector<16xf32>,
        %parallel_loop3A_265 = arith.constant 11.3137083 : f32
        %parallel_loop3A_266 = vector.broadcast %parallel_loop3A_265 : f32 to vector<16xf32>
        %parallel_loop3A_267 = arith.mulf %parallel_loop3A_187, %parallel_loop3A_266 : vector<16xf32>
        %parallel_loop3A_268 = arith.constant 128 : i32
        %parallel_loop3A_269 = arith.muli %parallel_loop3A_155, %parallel_loop3A_268 : i32
        %parallel_loop3A_270 = arith.constant 112 : i32
        %parallel_loop3A_271 = arith.addi %parallel_loop3A_269, %parallel_loop3A_270 : i32
        %parallel_loop3A_272 = arith.index_cast %parallel_loop3A_271 : i32 to index
        %parallel_loop3A_273 = tpu.vector_load %arg8[%parallel_loop3A_272] {strides = array<i32>} : memref<16384xf32, #tpu.memory_space<vmem>>, vector<16xf32>,
        %parallel_loop3A_274 = vector.shape_cast %parallel_loop3A_273 : vector<16xf32> to vector<16xf32>
        %parallel_loop3A_275 = vector.shape_cast %parallel_loop3A_267 : vector<16xf32> to vector<16xf32>
        tpu.vector_store %arg8[%parallel_loop3A_272], %parallel_loop3A_275 {strides = array<i32>} : memref<16384xf32, #tpu.memory_space<vmem>>, vector<16xf32>,
      } {sc.loop_unroll_factor = 2 : i64, sc.parallel_access}
      %add3A_52 = arith.constant 2 : i32
      %add3A_53 = arith.addi %add3A_41, %add3A_52 : i32
      %lt3A = arith.constant 200 : i32
      %lt3A_54 = arith.cmpi slt, %add3A_53, %lt3A : i32
      %convert_element_type3A_55 = arith.extui %lt3A_54 : i1 to i32
      %cond3A_56 = arith.constant 0 : i32
      %cond3A_57 = arith.cmpi ne, %convert_element_type3A_55, %cond3A_56 : i32
      scf.if %cond3A_57 {
        %add3A_155 = arith.constant 2 : i32
        %add3A_156 = arith.addi %add3A_41, %add3A_155 : i32
        %dma_start3A_157 = arith.constant 0 : i32
        %dma_start3A_158 = tpu.memref_slice %arg5[%add3A_156, %dma_start3A_157] : memref<200x128xi32, #tpu.memory_space<vmem>> -> memref<1x128xi32, #tpu.memory_space<vmem>>
        %dma_start3A_159 = tpu.memref_squeeze %dma_start3A_158 : memref<1x128xi32, #tpu.memory_space<vmem>> -> memref<128xi32, #tpu.memory_space<vmem>>
        %dma_start3A_160 = arith.constant 0 : i32
        %dma_start3A_161 = arith.constant 0 : i32
        %dma_start3A_162 = tpu.memref_slice %arg3[%dma_start3A_160, %dma_start3A_161] : memref<100000x128xf32, #tpu.memory_space<hbm>> -> memref<100000x128xf32, #tpu.memory_space<hbm>>
        tpu.enqueue_indirect_dma source(%dma_start3A_162 : memref<100000x128xf32, #tpu.memory_space<hbm>>) target(%arg6 : memref<128x128xf32, #tpu.memory_space<vmem>>) offsets(%dma_start3A_159 : memref<128xi32, #tpu.memory_space<vmem>>) semaphore(%arg12 : memref<!tpu.dma_semaphore, #tpu.memory_space<semaphore_mem>>)
      } else {
      }
      %mul3A_58 = arith.constant 128 : i32
      %mul3A_59 = arith.muli %add3A_41, %mul3A_58 : i32
      %add3A_60 = arith.addi %mul3A_2, %mul3A_59 : i32
      %mul3A_61 = arith.constant 128 : i32
      %mul3A_62 = arith.muli %add3A_60, %mul3A_61 : i32
      %dma_start3A_63 = tpu.memref_slice %arg4[%mul3A_62] : memref<104857600xf32, #tpu.memory_space<hbm>> -> memref<16384xf32, #tpu.memory_space<hbm>>
      %dma_start3A_64 = tpu.memref_slice %arg4[%mul3A_62] : memref<104857600xf32, #tpu.memory_space<hbm>> -> memref<16384xf32, #tpu.memory_space<hbm>>
      tpu.enqueue_dma source(%arg8 : memref<16384xf32, #tpu.memory_space<vmem>>) target(%dma_start3A_64 : memref<16384xf32, #tpu.memory_space<hbm>>) target_semaphore(%arg14 : memref<!tpu.dma_semaphore, #tpu.memory_space<semaphore_mem>>)
      %add3A_65 = arith.constant 1 : i32
      %add3A_66 = arith.addi %add3A_39, %add3A_65 : i32
      %dma_wait3A_67 = arith.constant 0 : i32
      %dma_wait3A_68 = tpu.memref_slice %arg5[%add3A_66, %dma_wait3A_67] : memref<200x128xi32, #tpu.memory_space<vmem>> -> memref<1x128xi32, #tpu.memory_space<vmem>>
      %dma_wait3A_69 = tpu.memref_squeeze %dma_wait3A_68 : memref<1x128xi32, #tpu.memory_space<vmem>> -> memref<128xi32, #tpu.memory_space<vmem>>
      %dma_wait3A_70 = arith.constant 0 : i32
      %dma_wait3A_71 = arith.constant 0 : i32
      %dma_wait3A_72 = tpu.memref_slice %arg3[%dma_wait3A_70, %dma_wait3A_71] : memref<100000x128xf32, #tpu.memory_space<hbm>> -> memref<100000x128xf32, #tpu.memory_space<hbm>>
      tpu.wait_indirect_dma semaphore(%arg13 : memref<!tpu.dma_semaphore, #tpu.memory_space<semaphore_mem>>) src(%dma_wait3A_72 : memref<100000x128xf32, #tpu.memory_space<hbm>>) dst(%arg7 : memref<128x128xf32, #tpu.memory_space<vmem>>)
      %ge3A_73 = arith.constant 4 : i32
      %ge3A_74 = arith.cmpi sge, %add3A_66, %ge3A_73 : i32
      %convert_element_type3A_75 = arith.extui %ge3A_74 : i1 to i32
      %cond3A_76 = arith.constant 0 : i32
      %cond3A_77 = arith.cmpi ne, %convert_element_type3A_75, %cond3A_76 : i32
      scf.if %cond3A_77 {
        %dma_wait3A_155 = arith.constant 0 : i32
        %dma_wait3A_156 = tpu.memref_slice %arg4[%dma_wait3A_155] : memref<104857600xf32, #tpu.memory_space<hbm>> -> memref<16384xf32, #tpu.memory_space<hbm>>
        %dma_wait3A_157 = arith.constant 0 : i32
        %dma_wait3A_158 = tpu.memref_slice %arg4[%dma_wait3A_157] : memref<104857600xf32, #tpu.memory_space<hbm>> -> memref<16384xf32, #tpu.memory_space<hbm>>
        tpu.wait_dma2 semaphore(%arg15 : memref<!tpu.dma_semaphore, #tpu.memory_space<semaphore_mem>>) src(%arg9 : memref<16384xf32, #tpu.memory_space<vmem>>) dst(%dma_wait3A_158 : memref<16384xf32, #tpu.memory_space<hbm>>)
      } else {
      }
      %parallel_loop3A_78 = arith.constant 0 : i32
      %parallel_loop3A_79 = arith.constant 128 : i32
      %parallel_loop3A_80 = arith.constant 1 : i32
      scf.for %parallel_loop3A_155 = %parallel_loop3A_78 to %parallel_loop3A_79 step %parallel_loop3A_80  : i32 {
        %parallel_loop3A_156 = arith.index_cast %parallel_loop3A_155 : i32 to index
        %parallel_loop3A_157 = arith.constant 0 : index
        %parallel_loop3A_158 = tpu.vector_load %arg7[%parallel_loop3A_156, %parallel_loop3A_157] {strides = array<i32>} : memref<128x128xf32, #tpu.memory_space<vmem>>, vector<1x16xf32>,
        %parallel_loop3A_159 = vector.shape_cast %parallel_loop3A_158 : vector<1x16xf32> to vector<16xf32>
        %parallel_loop3A_160 = arith.index_cast %parallel_loop3A_155 : i32 to index
        %parallel_loop3A_161 = arith.constant 16 : index
        %parallel_loop3A_162 = tpu.vector_load %arg7[%parallel_loop3A_160, %parallel_loop3A_161] {strides = array<i32>} : memref<128x128xf32, #tpu.memory_space<vmem>>, vector<1x16xf32>,
        %parallel_loop3A_163 = vector.shape_cast %parallel_loop3A_162 : vector<1x16xf32> to vector<16xf32>
        %parallel_loop3A_164 = arith.index_cast %parallel_loop3A_155 : i32 to index
        %parallel_loop3A_165 = arith.constant 32 : index
        %parallel_loop3A_166 = tpu.vector_load %arg7[%parallel_loop3A_164, %parallel_loop3A_165] {strides = array<i32>} : memref<128x128xf32, #tpu.memory_space<vmem>>, vector<1x16xf32>,
        %parallel_loop3A_167 = vector.shape_cast %parallel_loop3A_166 : vector<1x16xf32> to vector<16xf32>
        %parallel_loop3A_168 = arith.index_cast %parallel_loop3A_155 : i32 to index
        %parallel_loop3A_169 = arith.constant 48 : index
        %parallel_loop3A_170 = tpu.vector_load %arg7[%parallel_loop3A_168, %parallel_loop3A_169] {strides = array<i32>} : memref<128x128xf32, #tpu.memory_space<vmem>>, vector<1x16xf32>,
        %parallel_loop3A_171 = vector.shape_cast %parallel_loop3A_170 : vector<1x16xf32> to vector<16xf32>
        %parallel_loop3A_172 = arith.index_cast %parallel_loop3A_155 : i32 to index
        %parallel_loop3A_173 = arith.constant 64 : index
        %parallel_loop3A_174 = tpu.vector_load %arg7[%parallel_loop3A_172, %parallel_loop3A_173] {strides = array<i32>} : memref<128x128xf32, #tpu.memory_space<vmem>>, vector<1x16xf32>,
        %parallel_loop3A_175 = vector.shape_cast %parallel_loop3A_174 : vector<1x16xf32> to vector<16xf32>
        %parallel_loop3A_176 = arith.index_cast %parallel_loop3A_155 : i32 to index
        %parallel_loop3A_177 = arith.constant 80 : index
        %parallel_loop3A_178 = tpu.vector_load %arg7[%parallel_loop3A_176, %parallel_loop3A_177] {strides = array<i32>} : memref<128x128xf32, #tpu.memory_space<vmem>>, vector<1x16xf32>,
        %parallel_loop3A_179 = vector.shape_cast %parallel_loop3A_178 : vector<1x16xf32> to vector<16xf32>
        %parallel_loop3A_180 = arith.index_cast %parallel_loop3A_155 : i32 to index
        %parallel_loop3A_181 = arith.constant 96 : index
        %parallel_loop3A_182 = tpu.vector_load %arg7[%parallel_loop3A_180, %parallel_loop3A_181] {strides = array<i32>} : memref<128x128xf32, #tpu.memory_space<vmem>>, vector<1x16xf32>,
        %parallel_loop3A_183 = vector.shape_cast %parallel_loop3A_182 : vector<1x16xf32> to vector<16xf32>
        %parallel_loop3A_184 = arith.index_cast %parallel_loop3A_155 : i32 to index
        %parallel_loop3A_185 = arith.constant 112 : index
        %parallel_loop3A_186 = tpu.vector_load %arg7[%parallel_loop3A_184, %parallel_loop3A_185] {strides = array<i32>} : memref<128x128xf32, #tpu.memory_space<vmem>>, vector<1x16xf32>,
        %parallel_loop3A_187 = vector.shape_cast %parallel_loop3A_186 : vector<1x16xf32> to vector<16xf32>
        %parallel_loop3A_188 = arith.constant 11.3137083 : f32
        %parallel_loop3A_189 = vector.broadcast %parallel_loop3A_188 : f32 to vector<16xf32>
        %parallel_loop3A_190 = arith.mulf %parallel_loop3A_159, %parallel_loop3A_189 : vector<16xf32>
        %parallel_loop3A_191 = arith.constant 128 : i32
        %parallel_loop3A_192 = arith.muli %parallel_loop3A_155, %parallel_loop3A_191 : i32
        %parallel_loop3A_193 = arith.constant 0 : i32
        %parallel_loop3A_194 = arith.addi %parallel_loop3A_192, %parallel_loop3A_193 : i32
        %parallel_loop3A_195 = arith.index_cast %parallel_loop3A_194 : i32 to index
        %parallel_loop3A_196 = tpu.vector_load %arg9[%parallel_loop3A_195] {strides = array<i32>} : memref<16384xf32, #tpu.memory_space<vmem>>, vector<16xf32>,
        %parallel_loop3A_197 = vector.shape_cast %parallel_loop3A_196 : vector<16xf32> to vector<16xf32>
        %parallel_loop3A_198 = vector.shape_cast %parallel_loop3A_190 : vector<16xf32> to vector<16xf32>
        tpu.vector_store %arg9[%parallel_loop3A_195], %parallel_loop3A_198 {strides = array<i32>} : memref<16384xf32, #tpu.memory_space<vmem>>, vector<16xf32>,
        %parallel_loop3A_199 = arith.constant 11.3137083 : f32
        %parallel_loop3A_200 = vector.broadcast %parallel_loop3A_199 : f32 to vector<16xf32>
        %parallel_loop3A_201 = arith.mulf %parallel_loop3A_163, %parallel_loop3A_200 : vector<16xf32>
        %parallel_loop3A_202 = arith.constant 128 : i32
        %parallel_loop3A_203 = arith.muli %parallel_loop3A_155, %parallel_loop3A_202 : i32
        %parallel_loop3A_204 = arith.constant 16 : i32
        %parallel_loop3A_205 = arith.addi %parallel_loop3A_203, %parallel_loop3A_204 : i32
        %parallel_loop3A_206 = arith.index_cast %parallel_loop3A_205 : i32 to index
        %parallel_loop3A_207 = tpu.vector_load %arg9[%parallel_loop3A_206] {strides = array<i32>} : memref<16384xf32, #tpu.memory_space<vmem>>, vector<16xf32>,
        %parallel_loop3A_208 = vector.shape_cast %parallel_loop3A_207 : vector<16xf32> to vector<16xf32>
        %parallel_loop3A_209 = vector.shape_cast %parallel_loop3A_201 : vector<16xf32> to vector<16xf32>
        tpu.vector_store %arg9[%parallel_loop3A_206], %parallel_loop3A_209 {strides = array<i32>} : memref<16384xf32, #tpu.memory_space<vmem>>, vector<16xf32>,
        %parallel_loop3A_210 = arith.constant 11.3137083 : f32
        %parallel_loop3A_211 = vector.broadcast %parallel_loop3A_210 : f32 to vector<16xf32>
        %parallel_loop3A_212 = arith.mulf %parallel_loop3A_167, %parallel_loop3A_211 : vector<16xf32>
        %parallel_loop3A_213 = arith.constant 128 : i32
        %parallel_loop3A_214 = arith.muli %parallel_loop3A_155, %parallel_loop3A_213 : i32
        %parallel_loop3A_215 = arith.constant 32 : i32
        %parallel_loop3A_216 = arith.addi %parallel_loop3A_214, %parallel_loop3A_215 : i32
        %parallel_loop3A_217 = arith.index_cast %parallel_loop3A_216 : i32 to index
        %parallel_loop3A_218 = tpu.vector_load %arg9[%parallel_loop3A_217] {strides = array<i32>} : memref<16384xf32, #tpu.memory_space<vmem>>, vector<16xf32>,
        %parallel_loop3A_219 = vector.shape_cast %parallel_loop3A_218 : vector<16xf32> to vector<16xf32>
        %parallel_loop3A_220 = vector.shape_cast %parallel_loop3A_212 : vector<16xf32> to vector<16xf32>
        tpu.vector_store %arg9[%parallel_loop3A_217], %parallel_loop3A_220 {strides = array<i32>} : memref<16384xf32, #tpu.memory_space<vmem>>, vector<16xf32>,
        %parallel_loop3A_221 = arith.constant 11.3137083 : f32
        %parallel_loop3A_222 = vector.broadcast %parallel_loop3A_221 : f32 to vector<16xf32>
        %parallel_loop3A_223 = arith.mulf %parallel_loop3A_171, %parallel_loop3A_222 : vector<16xf32>
        %parallel_loop3A_224 = arith.constant 128 : i32
        %parallel_loop3A_225 = arith.muli %parallel_loop3A_155, %parallel_loop3A_224 : i32
        %parallel_loop3A_226 = arith.constant 48 : i32
        %parallel_loop3A_227 = arith.addi %parallel_loop3A_225, %parallel_loop3A_226 : i32
        %parallel_loop3A_228 = arith.index_cast %parallel_loop3A_227 : i32 to index
        %parallel_loop3A_229 = tpu.vector_load %arg9[%parallel_loop3A_228] {strides = array<i32>} : memref<16384xf32, #tpu.memory_space<vmem>>, vector<16xf32>,
        %parallel_loop3A_230 = vector.shape_cast %parallel_loop3A_229 : vector<16xf32> to vector<16xf32>
        %parallel_loop3A_231 = vector.shape_cast %parallel_loop3A_223 : vector<16xf32> to vector<16xf32>
        tpu.vector_store %arg9[%parallel_loop3A_228], %parallel_loop3A_231 {strides = array<i32>} : memref<16384xf32, #tpu.memory_space<vmem>>, vector<16xf32>,
        %parallel_loop3A_232 = arith.constant 11.3137083 : f32
        %parallel_loop3A_233 = vector.broadcast %parallel_loop3A_232 : f32 to vector<16xf32>
        %parallel_loop3A_234 = arith.mulf %parallel_loop3A_175, %parallel_loop3A_233 : vector<16xf32>
        %parallel_loop3A_235 = arith.constant 128 : i32
        %parallel_loop3A_236 = arith.muli %parallel_loop3A_155, %parallel_loop3A_235 : i32
        %parallel_loop3A_237 = arith.constant 64 : i32
        %parallel_loop3A_238 = arith.addi %parallel_loop3A_236, %parallel_loop3A_237 : i32
        %parallel_loop3A_239 = arith.index_cast %parallel_loop3A_238 : i32 to index
        %parallel_loop3A_240 = tpu.vector_load %arg9[%parallel_loop3A_239] {strides = array<i32>} : memref<16384xf32, #tpu.memory_space<vmem>>, vector<16xf32>,
        %parallel_loop3A_241 = vector.shape_cast %parallel_loop3A_240 : vector<16xf32> to vector<16xf32>
        %parallel_loop3A_242 = vector.shape_cast %parallel_loop3A_234 : vector<16xf32> to vector<16xf32>
        tpu.vector_store %arg9[%parallel_loop3A_239], %parallel_loop3A_242 {strides = array<i32>} : memref<16384xf32, #tpu.memory_space<vmem>>, vector<16xf32>,
        %parallel_loop3A_243 = arith.constant 11.3137083 : f32
        %parallel_loop3A_244 = vector.broadcast %parallel_loop3A_243 : f32 to vector<16xf32>
        %parallel_loop3A_245 = arith.mulf %parallel_loop3A_179, %parallel_loop3A_244 : vector<16xf32>
        %parallel_loop3A_246 = arith.constant 128 : i32
        %parallel_loop3A_247 = arith.muli %parallel_loop3A_155, %parallel_loop3A_246 : i32
        %parallel_loop3A_248 = arith.constant 80 : i32
        %parallel_loop3A_249 = arith.addi %parallel_loop3A_247, %parallel_loop3A_248 : i32
        %parallel_loop3A_250 = arith.index_cast %parallel_loop3A_249 : i32 to index
        %parallel_loop3A_251 = tpu.vector_load %arg9[%parallel_loop3A_250] {strides = array<i32>} : memref<16384xf32, #tpu.memory_space<vmem>>, vector<16xf32>,
        %parallel_loop3A_252 = vector.shape_cast %parallel_loop3A_251 : vector<16xf32> to vector<16xf32>
        %parallel_loop3A_253 = vector.shape_cast %parallel_loop3A_245 : vector<16xf32> to vector<16xf32>
        tpu.vector_store %arg9[%parallel_loop3A_250], %parallel_loop3A_253 {strides = array<i32>} : memref<16384xf32, #tpu.memory_space<vmem>>, vector<16xf32>,
        %parallel_loop3A_254 = arith.constant 11.3137083 : f32
        %parallel_loop3A_255 = vector.broadcast %parallel_loop3A_254 : f32 to vector<16xf32>
        %parallel_loop3A_256 = arith.mulf %parallel_loop3A_183, %parallel_loop3A_255 : vector<16xf32>
        %parallel_loop3A_257 = arith.constant 128 : i32
        %parallel_loop3A_258 = arith.muli %parallel_loop3A_155, %parallel_loop3A_257 : i32
        %parallel_loop3A_259 = arith.constant 96 : i32
        %parallel_loop3A_260 = arith.addi %parallel_loop3A_258, %parallel_loop3A_259 : i32
        %parallel_loop3A_261 = arith.index_cast %parallel_loop3A_260 : i32 to index
        %parallel_loop3A_262 = tpu.vector_load %arg9[%parallel_loop3A_261] {strides = array<i32>} : memref<16384xf32, #tpu.memory_space<vmem>>, vector<16xf32>,
        %parallel_loop3A_263 = vector.shape_cast %parallel_loop3A_262 : vector<16xf32> to vector<16xf32>
        %parallel_loop3A_264 = vector.shape_cast %parallel_loop3A_256 : vector<16xf32> to vector<16xf32>
        tpu.vector_store %arg9[%parallel_loop3A_261], %parallel_loop3A_264 {strides = array<i32>} : memref<16384xf32, #tpu.memory_space<vmem>>, vector<16xf32>,
        %parallel_loop3A_265 = arith.constant 11.3137083 : f32
        %parallel_loop3A_266 = vector.broadcast %parallel_loop3A_265 : f32 to vector<16xf32>
        %parallel_loop3A_267 = arith.mulf %parallel_loop3A_187, %parallel_loop3A_266 : vector<16xf32>
        %parallel_loop3A_268 = arith.constant 128 : i32
        %parallel_loop3A_269 = arith.muli %parallel_loop3A_155, %parallel_loop3A_268 : i32
        %parallel_loop3A_270 = arith.constant 112 : i32
        %parallel_loop3A_271 = arith.addi %parallel_loop3A_269, %parallel_loop3A_270 : i32
        %parallel_loop3A_272 = arith.index_cast %parallel_loop3A_271 : i32 to index
        %parallel_loop3A_273 = tpu.vector_load %arg9[%parallel_loop3A_272] {strides = array<i32>} : memref<16384xf32, #tpu.memory_space<vmem>>, vector<16xf32>,
        %parallel_loop3A_274 = vector.shape_cast %parallel_loop3A_273 : vector<16xf32> to vector<16xf32>
        %parallel_loop3A_275 = vector.shape_cast %parallel_loop3A_267 : vector<16xf32> to vector<16xf32>
        tpu.vector_store %arg9[%parallel_loop3A_272], %parallel_loop3A_275 {strides = array<i32>} : memref<16384xf32, #tpu.memory_space<vmem>>, vector<16xf32>,
      } {sc.loop_unroll_factor = 2 : i64, sc.parallel_access}
      %add3A_81 = arith.constant 2 : i32
      %add3A_82 = arith.addi %add3A_66, %add3A_81 : i32
      %lt3A_83 = arith.constant 200 : i32
      %lt3A_84 = arith.cmpi slt, %add3A_82, %lt3A_83 : i32
      %convert_element_type3A_85 = arith.extui %lt3A_84 : i1 to i32
      %cond3A_86 = arith.constant 0 : i32
      %cond3A_87 = arith.cmpi ne, %convert_element_type3A_85, %cond3A_86 : i32
      scf.if %cond3A_87 {
        %add3A_155 = arith.constant 2 : i32
        %add3A_156 = arith.addi %add3A_66, %add3A_155 : i32
        %dma_start3A_157 = arith.constant 0 : i32
        %dma_start3A_158 = tpu.memref_slice %arg5[%add3A_156, %dma_start3A_157] : memref<200x128xi32, #tpu.memory_space<vmem>> -> memref<1x128xi32, #tpu.memory_space<vmem>>
        %dma_start3A_159 = tpu.memref_squeeze %dma_start3A_158 : memref<1x128xi32, #tpu.memory_space<vmem>> -> memref<128xi32, #tpu.memory_space<vmem>>
        %dma_start3A_160 = arith.constant 0 : i32
        %dma_start3A_161 = arith.constant 0 : i32
        %dma_start3A_162 = tpu.memref_slice %arg3[%dma_start3A_160, %dma_start3A_161] : memref<100000x128xf32, #tpu.memory_space<hbm>> -> memref<100000x128xf32, #tpu.memory_space<hbm>>
        tpu.enqueue_indirect_dma source(%dma_start3A_162 : memref<100000x128xf32, #tpu.memory_space<hbm>>) target(%arg7 : memref<128x128xf32, #tpu.memory_space<vmem>>) offsets(%dma_start3A_159 : memref<128xi32, #tpu.memory_space<vmem>>) semaphore(%arg13 : memref<!tpu.dma_semaphore, #tpu.memory_space<semaphore_mem>>)
      } else {
      }
      %mul3A_88 = arith.constant 128 : i32
      %mul3A_89 = arith.muli %add3A_66, %mul3A_88 : i32
      %add3A_90 = arith.addi %mul3A_2, %mul3A_89 : i32
      %mul3A_91 = arith.constant 128 : i32
      %mul3A_92 = arith.muli %add3A_90, %mul3A_91 : i32
      %dma_start3A_93 = tpu.memref_slice %arg4[%mul3A_92] : memref<104857600xf32, #tpu.memory_space<hbm>> -> memref<16384xf32, #tpu.memory_space<hbm>>
      %dma_start3A_94 = tpu.memref_slice %arg4[%mul3A_92] : memref<104857600xf32, #tpu.memory_space<hbm>> -> memref<16384xf32, #tpu.memory_space<hbm>>
      tpu.enqueue_dma source(%arg9 : memref<16384xf32, #tpu.memory_space<vmem>>) target(%dma_start3A_94 : memref<16384xf32, #tpu.memory_space<hbm>>) target_semaphore(%arg15 : memref<!tpu.dma_semaphore, #tpu.memory_space<semaphore_mem>>)
      %add3A_95 = arith.constant 2 : i32
      %add3A_96 = arith.addi %add3A_39, %add3A_95 : i32
      %dma_wait3A_97 = arith.constant 0 : i32
      %dma_wait3A_98 = tpu.memref_slice %arg5[%add3A_96, %dma_wait3A_97] : memref<200x128xi32, #tpu.memory_space<vmem>> -> memref<1x128xi32, #tpu.memory_space<vmem>>
      %dma_wait3A_99 = tpu.memref_squeeze %dma_wait3A_98 : memref<1x128xi32, #tpu.memory_space<vmem>> -> memref<128xi32, #tpu.memory_space<vmem>>
      %dma_wait3A_100 = arith.constant 0 : i32
      %dma_wait3A_101 = arith.constant 0 : i32
      %dma_wait3A_102 = tpu.memref_slice %arg3[%dma_wait3A_100, %dma_wait3A_101] : memref<100000x128xf32, #tpu.memory_space<hbm>> -> memref<100000x128xf32, #tpu.memory_space<hbm>>
      tpu.wait_indirect_dma semaphore(%arg12 : memref<!tpu.dma_semaphore, #tpu.memory_space<semaphore_mem>>) src(%dma_wait3A_102 : memref<100000x128xf32, #tpu.memory_space<hbm>>) dst(%arg6 : memref<128x128xf32, #tpu.memory_space<vmem>>)
      %ge3A_103 = arith.constant 4 : i32
      %ge3A_104 = arith.cmpi sge, %add3A_96, %ge3A_103 : i32
      %convert_element_type3A_105 = arith.extui %ge3A_104 : i1 to i32
      %cond3A_106 = arith.constant 0 : i32
      %cond3A_107 = arith.cmpi ne, %convert_element_type3A_105, %cond3A_106 : i32
      scf.if %cond3A_107 {
        %dma_wait3A_155 = arith.constant 0 : i32
        %dma_wait3A_156 = tpu.memref_slice %arg4[%dma_wait3A_155] : memref<104857600xf32, #tpu.memory_space<hbm>> -> memref<16384xf32, #tpu.memory_space<hbm>>
        %dma_wait3A_157 = arith.constant 0 : i32
        %dma_wait3A_158 = tpu.memref_slice %arg4[%dma_wait3A_157] : memref<104857600xf32, #tpu.memory_space<hbm>> -> memref<16384xf32, #tpu.memory_space<hbm>>
        tpu.wait_dma2 semaphore(%arg16 : memref<!tpu.dma_semaphore, #tpu.memory_space<semaphore_mem>>) src(%arg10 : memref<16384xf32, #tpu.memory_space<vmem>>) dst(%dma_wait3A_158 : memref<16384xf32, #tpu.memory_space<hbm>>)
      } else {
      }
      %parallel_loop3A_108 = arith.constant 0 : i32
      %parallel_loop3A_109 = arith.constant 128 : i32
      %parallel_loop3A_110 = arith.constant 1 : i32
      scf.for %parallel_loop3A_155 = %parallel_loop3A_108 to %parallel_loop3A_109 step %parallel_loop3A_110  : i32 {
        %parallel_loop3A_156 = arith.index_cast %parallel_loop3A_155 : i32 to index
        %parallel_loop3A_157 = arith.constant 0 : index
        %parallel_loop3A_158 = tpu.vector_load %arg6[%parallel_loop3A_156, %parallel_loop3A_157] {strides = array<i32>} : memref<128x128xf32, #tpu.memory_space<vmem>>, vector<1x16xf32>,
        %parallel_loop3A_159 = vector.shape_cast %parallel_loop3A_158 : vector<1x16xf32> to vector<16xf32>
        %parallel_loop3A_160 = arith.index_cast %parallel_loop3A_155 : i32 to index
        %parallel_loop3A_161 = arith.constant 16 : index
        %parallel_loop3A_162 = tpu.vector_load %arg6[%parallel_loop3A_160, %parallel_loop3A_161] {strides = array<i32>} : memref<128x128xf32, #tpu.memory_space<vmem>>, vector<1x16xf32>,
        %parallel_loop3A_163 = vector.shape_cast %parallel_loop3A_162 : vector<1x16xf32> to vector<16xf32>
        %parallel_loop3A_164 = arith.index_cast %parallel_loop3A_155 : i32 to index
        %parallel_loop3A_165 = arith.constant 32 : index
        %parallel_loop3A_166 = tpu.vector_load %arg6[%parallel_loop3A_164, %parallel_loop3A_165] {strides = array<i32>} : memref<128x128xf32, #tpu.memory_space<vmem>>, vector<1x16xf32>,
        %parallel_loop3A_167 = vector.shape_cast %parallel_loop3A_166 : vector<1x16xf32> to vector<16xf32>
        %parallel_loop3A_168 = arith.index_cast %parallel_loop3A_155 : i32 to index
        %parallel_loop3A_169 = arith.constant 48 : index
        %parallel_loop3A_170 = tpu.vector_load %arg6[%parallel_loop3A_168, %parallel_loop3A_169] {strides = array<i32>} : memref<128x128xf32, #tpu.memory_space<vmem>>, vector<1x16xf32>,
        %parallel_loop3A_171 = vector.shape_cast %parallel_loop3A_170 : vector<1x16xf32> to vector<16xf32>
        %parallel_loop3A_172 = arith.index_cast %parallel_loop3A_155 : i32 to index
        %parallel_loop3A_173 = arith.constant 64 : index
        %parallel_loop3A_174 = tpu.vector_load %arg6[%parallel_loop3A_172, %parallel_loop3A_173] {strides = array<i32>} : memref<128x128xf32, #tpu.memory_space<vmem>>, vector<1x16xf32>,
        %parallel_loop3A_175 = vector.shape_cast %parallel_loop3A_174 : vector<1x16xf32> to vector<16xf32>
        %parallel_loop3A_176 = arith.index_cast %parallel_loop3A_155 : i32 to index
        %parallel_loop3A_177 = arith.constant 80 : index
        %parallel_loop3A_178 = tpu.vector_load %arg6[%parallel_loop3A_176, %parallel_loop3A_177] {strides = array<i32>} : memref<128x128xf32, #tpu.memory_space<vmem>>, vector<1x16xf32>,
        %parallel_loop3A_179 = vector.shape_cast %parallel_loop3A_178 : vector<1x16xf32> to vector<16xf32>
        %parallel_loop3A_180 = arith.index_cast %parallel_loop3A_155 : i32 to index
        %parallel_loop3A_181 = arith.constant 96 : index
        %parallel_loop3A_182 = tpu.vector_load %arg6[%parallel_loop3A_180, %parallel_loop3A_181] {strides = array<i32>} : memref<128x128xf32, #tpu.memory_space<vmem>>, vector<1x16xf32>,
        %parallel_loop3A_183 = vector.shape_cast %parallel_loop3A_182 : vector<1x16xf32> to vector<16xf32>
        %parallel_loop3A_184 = arith.index_cast %parallel_loop3A_155 : i32 to index
        %parallel_loop3A_185 = arith.constant 112 : index
        %parallel_loop3A_186 = tpu.vector_load %arg6[%parallel_loop3A_184, %parallel_loop3A_185] {strides = array<i32>} : memref<128x128xf32, #tpu.memory_space<vmem>>, vector<1x16xf32>,
        %parallel_loop3A_187 = vector.shape_cast %parallel_loop3A_186 : vector<1x16xf32> to vector<16xf32>
        %parallel_loop3A_188 = arith.constant 11.3137083 : f32
        %parallel_loop3A_189 = vector.broadcast %parallel_loop3A_188 : f32 to vector<16xf32>
        %parallel_loop3A_190 = arith.mulf %parallel_loop3A_159, %parallel_loop3A_189 : vector<16xf32>
        %parallel_loop3A_191 = arith.constant 128 : i32
        %parallel_loop3A_192 = arith.muli %parallel_loop3A_155, %parallel_loop3A_191 : i32
        %parallel_loop3A_193 = arith.constant 0 : i32
        %parallel_loop3A_194 = arith.addi %parallel_loop3A_192, %parallel_loop3A_193 : i32
        %parallel_loop3A_195 = arith.index_cast %parallel_loop3A_194 : i32 to index
        %parallel_loop3A_196 = tpu.vector_load %arg10[%parallel_loop3A_195] {strides = array<i32>} : memref<16384xf32, #tpu.memory_space<vmem>>, vector<16xf32>,
        %parallel_loop3A_197 = vector.shape_cast %parallel_loop3A_196 : vector<16xf32> to vector<16xf32>
        %parallel_loop3A_198 = vector.shape_cast %parallel_loop3A_190 : vector<16xf32> to vector<16xf32>
        tpu.vector_store %arg10[%parallel_loop3A_195], %parallel_loop3A_198 {strides = array<i32>} : memref<16384xf32, #tpu.memory_space<vmem>>, vector<16xf32>,
        %parallel_loop3A_199 = arith.constant 11.3137083 : f32
        %parallel_loop3A_200 = vector.broadcast %parallel_loop3A_199 : f32 to vector<16xf32>
        %parallel_loop3A_201 = arith.mulf %parallel_loop3A_163, %parallel_loop3A_200 : vector<16xf32>
        %parallel_loop3A_202 = arith.constant 128 : i32
        %parallel_loop3A_203 = arith.muli %parallel_loop3A_155, %parallel_loop3A_202 : i32
        %parallel_loop3A_204 = arith.constant 16 : i32
        %parallel_loop3A_205 = arith.addi %parallel_loop3A_203, %parallel_loop3A_204 : i32
        %parallel_loop3A_206 = arith.index_cast %parallel_loop3A_205 : i32 to index
        %parallel_loop3A_207 = tpu.vector_load %arg10[%parallel_loop3A_206] {strides = array<i32>} : memref<16384xf32, #tpu.memory_space<vmem>>, vector<16xf32>,
        %parallel_loop3A_208 = vector.shape_cast %parallel_loop3A_207 : vector<16xf32> to vector<16xf32>
        %parallel_loop3A_209 = vector.shape_cast %parallel_loop3A_201 : vector<16xf32> to vector<16xf32>
        tpu.vector_store %arg10[%parallel_loop3A_206], %parallel_loop3A_209 {strides = array<i32>} : memref<16384xf32, #tpu.memory_space<vmem>>, vector<16xf32>,
        %parallel_loop3A_210 = arith.constant 11.3137083 : f32
        %parallel_loop3A_211 = vector.broadcast %parallel_loop3A_210 : f32 to vector<16xf32>
        %parallel_loop3A_212 = arith.mulf %parallel_loop3A_167, %parallel_loop3A_211 : vector<16xf32>
        %parallel_loop3A_213 = arith.constant 128 : i32
        %parallel_loop3A_214 = arith.muli %parallel_loop3A_155, %parallel_loop3A_213 : i32
        %parallel_loop3A_215 = arith.constant 32 : i32
        %parallel_loop3A_216 = arith.addi %parallel_loop3A_214, %parallel_loop3A_215 : i32
        %parallel_loop3A_217 = arith.index_cast %parallel_loop3A_216 : i32 to index
        %parallel_loop3A_218 = tpu.vector_load %arg10[%parallel_loop3A_217] {strides = array<i32>} : memref<16384xf32, #tpu.memory_space<vmem>>, vector<16xf32>,
        %parallel_loop3A_219 = vector.shape_cast %parallel_loop3A_218 : vector<16xf32> to vector<16xf32>
        %parallel_loop3A_220 = vector.shape_cast %parallel_loop3A_212 : vector<16xf32> to vector<16xf32>
        tpu.vector_store %arg10[%parallel_loop3A_217], %parallel_loop3A_220 {strides = array<i32>} : memref<16384xf32, #tpu.memory_space<vmem>>, vector<16xf32>,
        %parallel_loop3A_221 = arith.constant 11.3137083 : f32
        %parallel_loop3A_222 = vector.broadcast %parallel_loop3A_221 : f32 to vector<16xf32>
        %parallel_loop3A_223 = arith.mulf %parallel_loop3A_171, %parallel_loop3A_222 : vector<16xf32>
        %parallel_loop3A_224 = arith.constant 128 : i32
        %parallel_loop3A_225 = arith.muli %parallel_loop3A_155, %parallel_loop3A_224 : i32
        %parallel_loop3A_226 = arith.constant 48 : i32
        %parallel_loop3A_227 = arith.addi %parallel_loop3A_225, %parallel_loop3A_226 : i32
        %parallel_loop3A_228 = arith.index_cast %parallel_loop3A_227 : i32 to index
        %parallel_loop3A_229 = tpu.vector_load %arg10[%parallel_loop3A_228] {strides = array<i32>} : memref<16384xf32, #tpu.memory_space<vmem>>, vector<16xf32>,
        %parallel_loop3A_230 = vector.shape_cast %parallel_loop3A_229 : vector<16xf32> to vector<16xf32>
        %parallel_loop3A_231 = vector.shape_cast %parallel_loop3A_223 : vector<16xf32> to vector<16xf32>
        tpu.vector_store %arg10[%parallel_loop3A_228], %parallel_loop3A_231 {strides = array<i32>} : memref<16384xf32, #tpu.memory_space<vmem>>, vector<16xf32>,
        %parallel_loop3A_232 = arith.constant 11.3137083 : f32
        %parallel_loop3A_233 = vector.broadcast %parallel_loop3A_232 : f32 to vector<16xf32>
        %parallel_loop3A_234 = arith.mulf %parallel_loop3A_175, %parallel_loop3A_233 : vector<16xf32>
        %parallel_loop3A_235 = arith.constant 128 : i32
        %parallel_loop3A_236 = arith.muli %parallel_loop3A_155, %parallel_loop3A_235 : i32
        %parallel_loop3A_237 = arith.constant 64 : i32
        %parallel_loop3A_238 = arith.addi %parallel_loop3A_236, %parallel_loop3A_237 : i32
        %parallel_loop3A_239 = arith.index_cast %parallel_loop3A_238 : i32 to index
        %parallel_loop3A_240 = tpu.vector_load %arg10[%parallel_loop3A_239] {strides = array<i32>} : memref<16384xf32, #tpu.memory_space<vmem>>, vector<16xf32>,
        %parallel_loop3A_241 = vector.shape_cast %parallel_loop3A_240 : vector<16xf32> to vector<16xf32>
        %parallel_loop3A_242 = vector.shape_cast %parallel_loop3A_234 : vector<16xf32> to vector<16xf32>
        tpu.vector_store %arg10[%parallel_loop3A_239], %parallel_loop3A_242 {strides = array<i32>} : memref<16384xf32, #tpu.memory_space<vmem>>, vector<16xf32>,
        %parallel_loop3A_243 = arith.constant 11.3137083 : f32
        %parallel_loop3A_244 = vector.broadcast %parallel_loop3A_243 : f32 to vector<16xf32>
        %parallel_loop3A_245 = arith.mulf %parallel_loop3A_179, %parallel_loop3A_244 : vector<16xf32>
        %parallel_loop3A_246 = arith.constant 128 : i32
        %parallel_loop3A_247 = arith.muli %parallel_loop3A_155, %parallel_loop3A_246 : i32
        %parallel_loop3A_248 = arith.constant 80 : i32
        %parallel_loop3A_249 = arith.addi %parallel_loop3A_247, %parallel_loop3A_248 : i32
        %parallel_loop3A_250 = arith.index_cast %parallel_loop3A_249 : i32 to index
        %parallel_loop3A_251 = tpu.vector_load %arg10[%parallel_loop3A_250] {strides = array<i32>} : memref<16384xf32, #tpu.memory_space<vmem>>, vector<16xf32>,
        %parallel_loop3A_252 = vector.shape_cast %parallel_loop3A_251 : vector<16xf32> to vector<16xf32>
        %parallel_loop3A_253 = vector.shape_cast %parallel_loop3A_245 : vector<16xf32> to vector<16xf32>
        tpu.vector_store %arg10[%parallel_loop3A_250], %parallel_loop3A_253 {strides = array<i32>} : memref<16384xf32, #tpu.memory_space<vmem>>, vector<16xf32>,
        %parallel_loop3A_254 = arith.constant 11.3137083 : f32
        %parallel_loop3A_255 = vector.broadcast %parallel_loop3A_254 : f32 to vector<16xf32>
        %parallel_loop3A_256 = arith.mulf %parallel_loop3A_183, %parallel_loop3A_255 : vector<16xf32>
        %parallel_loop3A_257 = arith.constant 128 : i32
        %parallel_loop3A_258 = arith.muli %parallel_loop3A_155, %parallel_loop3A_257 : i32
        %parallel_loop3A_259 = arith.constant 96 : i32
        %parallel_loop3A_260 = arith.addi %parallel_loop3A_258, %parallel_loop3A_259 : i32
        %parallel_loop3A_261 = arith.index_cast %parallel_loop3A_260 : i32 to index
        %parallel_loop3A_262 = tpu.vector_load %arg10[%parallel_loop3A_261] {strides = array<i32>} : memref<16384xf32, #tpu.memory_space<vmem>>, vector<16xf32>,
        %parallel_loop3A_263 = vector.shape_cast %parallel_loop3A_262 : vector<16xf32> to vector<16xf32>
        %parallel_loop3A_264 = vector.shape_cast %parallel_loop3A_256 : vector<16xf32> to vector<16xf32>
        tpu.vector_store %arg10[%parallel_loop3A_261], %parallel_loop3A_264 {strides = array<i32>} : memref<16384xf32, #tpu.memory_space<vmem>>, vector<16xf32>,
        %parallel_loop3A_265 = arith.constant 11.3137083 : f32
        %parallel_loop3A_266 = vector.broadcast %parallel_loop3A_265 : f32 to vector<16xf32>
        %parallel_loop3A_267 = arith.mulf %parallel_loop3A_187, %parallel_loop3A_266 : vector<16xf32>
        %parallel_loop3A_268 = arith.constant 128 : i32
        %parallel_loop3A_269 = arith.muli %parallel_loop3A_155, %parallel_loop3A_268 : i32
        %parallel_loop3A_270 = arith.constant 112 : i32
        %parallel_loop3A_271 = arith.addi %parallel_loop3A_269, %parallel_loop3A_270 : i32
        %parallel_loop3A_272 = arith.index_cast %parallel_loop3A_271 : i32 to index
        %parallel_loop3A_273 = tpu.vector_load %arg10[%parallel_loop3A_272] {strides = array<i32>} : memref<16384xf32, #tpu.memory_space<vmem>>, vector<16xf32>,
        %parallel_loop3A_274 = vector.shape_cast %parallel_loop3A_273 : vector<16xf32> to vector<16xf32>
        %parallel_loop3A_275 = vector.shape_cast %parallel_loop3A_267 : vector<16xf32> to vector<16xf32>
        tpu.vector_store %arg10[%parallel_loop3A_272], %parallel_loop3A_275 {strides = array<i32>} : memref<16384xf32, #tpu.memory_space<vmem>>, vector<16xf32>,
      } {sc.loop_unroll_factor = 2 : i64, sc.parallel_access}
      %add3A_111 = arith.constant 2 : i32
      %add3A_112 = arith.addi %add3A_96, %add3A_111 : i32
      %lt3A_113 = arith.constant 200 : i32
      %lt3A_114 = arith.cmpi slt, %add3A_112, %lt3A_113 : i32
      %convert_element_type3A_115 = arith.extui %lt3A_114 : i1 to i32
      %cond3A_116 = arith.constant 0 : i32
      %cond3A_117 = arith.cmpi ne, %convert_element_type3A_115, %cond3A_116 : i32
      scf.if %cond3A_117 {
        %add3A_155 = arith.constant 2 : i32
        %add3A_156 = arith.addi %add3A_96, %add3A_155 : i32
        %dma_start3A_157 = arith.constant 0 : i32
        %dma_start3A_158 = tpu.memref_slice %arg5[%add3A_156, %dma_start3A_157] : memref<200x128xi32, #tpu.memory_space<vmem>> -> memref<1x128xi32, #tpu.memory_space<vmem>>
        %dma_start3A_159 = tpu.memref_squeeze %dma_start3A_158 : memref<1x128xi32, #tpu.memory_space<vmem>> -> memref<128xi32, #tpu.memory_space<vmem>>
        %dma_start3A_160 = arith.constant 0 : i32
        %dma_start3A_161 = arith.constant 0 : i32
        %dma_start3A_162 = tpu.memref_slice %arg3[%dma_start3A_160, %dma_start3A_161] : memref<100000x128xf32, #tpu.memory_space<hbm>> -> memref<100000x128xf32, #tpu.memory_space<hbm>>
        tpu.enqueue_indirect_dma source(%dma_start3A_162 : memref<100000x128xf32, #tpu.memory_space<hbm>>) target(%arg6 : memref<128x128xf32, #tpu.memory_space<vmem>>) offsets(%dma_start3A_159 : memref<128xi32, #tpu.memory_space<vmem>>) semaphore(%arg12 : memref<!tpu.dma_semaphore, #tpu.memory_space<semaphore_mem>>)
      } else {
      }
      %mul3A_118 = arith.constant 128 : i32
      %mul3A_119 = arith.muli %add3A_96, %mul3A_118 : i32
      %add3A_120 = arith.addi %mul3A_2, %mul3A_119 : i32
      %mul3A_121 = arith.constant 128 : i32
      %mul3A_122 = arith.muli %add3A_120, %mul3A_121 : i32
      %dma_start3A_123 = tpu.memref_slice %arg4[%mul3A_122] : memref<104857600xf32, #tpu.memory_space<hbm>> -> memref<16384xf32, #tpu.memory_space<hbm>>
      %dma_start3A_124 = tpu.memref_slice %arg4[%mul3A_122] : memref<104857600xf32, #tpu.memory_space<hbm>> -> memref<16384xf32, #tpu.memory_space<hbm>>
      tpu.enqueue_dma source(%arg10 : memref<16384xf32, #tpu.memory_space<vmem>>) target(%dma_start3A_124 : memref<16384xf32, #tpu.memory_space<hbm>>) target_semaphore(%arg16 : memref<!tpu.dma_semaphore, #tpu.memory_space<semaphore_mem>>)
      %add3A_125 = arith.constant 3 : i32
      %add3A_126 = arith.addi %add3A_39, %add3A_125 : i32
      %dma_wait3A_127 = arith.constant 0 : i32
      %dma_wait3A_128 = tpu.memref_slice %arg5[%add3A_126, %dma_wait3A_127] : memref<200x128xi32, #tpu.memory_space<vmem>> -> memref<1x128xi32, #tpu.memory_space<vmem>>
      %dma_wait3A_129 = tpu.memref_squeeze %dma_wait3A_128 : memref<1x128xi32, #tpu.memory_space<vmem>> -> memref<128xi32, #tpu.memory_space<vmem>>
      %dma_wait3A_130 = arith.constant 0 : i32
      %dma_wait3A_131 = arith.constant 0 : i32
      %dma_wait3A_132 = tpu.memref_slice %arg3[%dma_wait3A_130, %dma_wait3A_131] : memref<100000x128xf32, #tpu.memory_space<hbm>> -> memref<100000x128xf32, #tpu.memory_space<hbm>>
      tpu.wait_indirect_dma semaphore(%arg13 : memref<!tpu.dma_semaphore, #tpu.memory_space<semaphore_mem>>) src(%dma_wait3A_132 : memref<100000x128xf32, #tpu.memory_space<hbm>>) dst(%arg7 : memref<128x128xf32, #tpu.memory_space<vmem>>)
      %ge3A_133 = arith.constant 4 : i32
      %ge3A_134 = arith.cmpi sge, %add3A_126, %ge3A_133 : i32
      %convert_element_type3A_135 = arith.extui %ge3A_134 : i1 to i32
      %cond3A_136 = arith.constant 0 : i32
      %cond3A_137 = arith.cmpi ne, %convert_element_type3A_135, %cond3A_136 : i32
      scf.if %cond3A_137 {
        %dma_wait3A_155 = arith.constant 0 : i32
        %dma_wait3A_156 = tpu.memref_slice %arg4[%dma_wait3A_155] : memref<104857600xf32, #tpu.memory_space<hbm>> -> memref<16384xf32, #tpu.memory_space<hbm>>
        %dma_wait3A_157 = arith.constant 0 : i32
        %dma_wait3A_158 = tpu.memref_slice %arg4[%dma_wait3A_157] : memref<104857600xf32, #tpu.memory_space<hbm>> -> memref<16384xf32, #tpu.memory_space<hbm>>
        tpu.wait_dma2 semaphore(%arg17 : memref<!tpu.dma_semaphore, #tpu.memory_space<semaphore_mem>>) src(%arg11 : memref<16384xf32, #tpu.memory_space<vmem>>) dst(%dma_wait3A_158 : memref<16384xf32, #tpu.memory_space<hbm>>)
      } else {
      }
      %parallel_loop3A_138 = arith.constant 0 : i32
      %parallel_loop3A_139 = arith.constant 128 : i32
      %parallel_loop3A_140 = arith.constant 1 : i32
      scf.for %parallel_loop3A_155 = %parallel_loop3A_138 to %parallel_loop3A_139 step %parallel_loop3A_140  : i32 {
        %parallel_loop3A_156 = arith.index_cast %parallel_loop3A_155 : i32 to index
        %parallel_loop3A_157 = arith.constant 0 : index
        %parallel_loop3A_158 = tpu.vector_load %arg7[%parallel_loop3A_156, %parallel_loop3A_157] {strides = array<i32>} : memref<128x128xf32, #tpu.memory_space<vmem>>, vector<1x16xf32>,
        %parallel_loop3A_159 = vector.shape_cast %parallel_loop3A_158 : vector<1x16xf32> to vector<16xf32>
        %parallel_loop3A_160 = arith.index_cast %parallel_loop3A_155 : i32 to index
        %parallel_loop3A_161 = arith.constant 16 : index
        %parallel_loop3A_162 = tpu.vector_load %arg7[%parallel_loop3A_160, %parallel_loop3A_161] {strides = array<i32>} : memref<128x128xf32, #tpu.memory_space<vmem>>, vector<1x16xf32>,
        %parallel_loop3A_163 = vector.shape_cast %parallel_loop3A_162 : vector<1x16xf32> to vector<16xf32>
        %parallel_loop3A_164 = arith.index_cast %parallel_loop3A_155 : i32 to index
        %parallel_loop3A_165 = arith.constant 32 : index
        %parallel_loop3A_166 = tpu.vector_load %arg7[%parallel_loop3A_164, %parallel_loop3A_165] {strides = array<i32>} : memref<128x128xf32, #tpu.memory_space<vmem>>, vector<1x16xf32>,
        %parallel_loop3A_167 = vector.shape_cast %parallel_loop3A_166 : vector<1x16xf32> to vector<16xf32>
        %parallel_loop3A_168 = arith.index_cast %parallel_loop3A_155 : i32 to index
        %parallel_loop3A_169 = arith.constant 48 : index
        %parallel_loop3A_170 = tpu.vector_load %arg7[%parallel_loop3A_168, %parallel_loop3A_169] {strides = array<i32>} : memref<128x128xf32, #tpu.memory_space<vmem>>, vector<1x16xf32>,
        %parallel_loop3A_171 = vector.shape_cast %parallel_loop3A_170 : vector<1x16xf32> to vector<16xf32>
        %parallel_loop3A_172 = arith.index_cast %parallel_loop3A_155 : i32 to index
        %parallel_loop3A_173 = arith.constant 64 : index
        %parallel_loop3A_174 = tpu.vector_load %arg7[%parallel_loop3A_172, %parallel_loop3A_173] {strides = array<i32>} : memref<128x128xf32, #tpu.memory_space<vmem>>, vector<1x16xf32>,
        %parallel_loop3A_175 = vector.shape_cast %parallel_loop3A_174 : vector<1x16xf32> to vector<16xf32>
        %parallel_loop3A_176 = arith.index_cast %parallel_loop3A_155 : i32 to index
        %parallel_loop3A_177 = arith.constant 80 : index
        %parallel_loop3A_178 = tpu.vector_load %arg7[%parallel_loop3A_176, %parallel_loop3A_177] {strides = array<i32>} : memref<128x128xf32, #tpu.memory_space<vmem>>, vector<1x16xf32>,
        %parallel_loop3A_179 = vector.shape_cast %parallel_loop3A_178 : vector<1x16xf32> to vector<16xf32>
        %parallel_loop3A_180 = arith.index_cast %parallel_loop3A_155 : i32 to index
        %parallel_loop3A_181 = arith.constant 96 : index
        %parallel_loop3A_182 = tpu.vector_load %arg7[%parallel_loop3A_180, %parallel_loop3A_181] {strides = array<i32>} : memref<128x128xf32, #tpu.memory_space<vmem>>, vector<1x16xf32>,
        %parallel_loop3A_183 = vector.shape_cast %parallel_loop3A_182 : vector<1x16xf32> to vector<16xf32>
        %parallel_loop3A_184 = arith.index_cast %parallel_loop3A_155 : i32 to index
        %parallel_loop3A_185 = arith.constant 112 : index
        %parallel_loop3A_186 = tpu.vector_load %arg7[%parallel_loop3A_184, %parallel_loop3A_185] {strides = array<i32>} : memref<128x128xf32, #tpu.memory_space<vmem>>, vector<1x16xf32>,
        %parallel_loop3A_187 = vector.shape_cast %parallel_loop3A_186 : vector<1x16xf32> to vector<16xf32>
        %parallel_loop3A_188 = arith.constant 11.3137083 : f32
        %parallel_loop3A_189 = vector.broadcast %parallel_loop3A_188 : f32 to vector<16xf32>
        %parallel_loop3A_190 = arith.mulf %parallel_loop3A_159, %parallel_loop3A_189 : vector<16xf32>
        %parallel_loop3A_191 = arith.constant 128 : i32
        %parallel_loop3A_192 = arith.muli %parallel_loop3A_155, %parallel_loop3A_191 : i32
        %parallel_loop3A_193 = arith.constant 0 : i32
        %parallel_loop3A_194 = arith.addi %parallel_loop3A_192, %parallel_loop3A_193 : i32
        %parallel_loop3A_195 = arith.index_cast %parallel_loop3A_194 : i32 to index
        %parallel_loop3A_196 = tpu.vector_load %arg11[%parallel_loop3A_195] {strides = array<i32>} : memref<16384xf32, #tpu.memory_space<vmem>>, vector<16xf32>,
        %parallel_loop3A_197 = vector.shape_cast %parallel_loop3A_196 : vector<16xf32> to vector<16xf32>
        %parallel_loop3A_198 = vector.shape_cast %parallel_loop3A_190 : vector<16xf32> to vector<16xf32>
        tpu.vector_store %arg11[%parallel_loop3A_195], %parallel_loop3A_198 {strides = array<i32>} : memref<16384xf32, #tpu.memory_space<vmem>>, vector<16xf32>,
        %parallel_loop3A_199 = arith.constant 11.3137083 : f32
        %parallel_loop3A_200 = vector.broadcast %parallel_loop3A_199 : f32 to vector<16xf32>
        %parallel_loop3A_201 = arith.mulf %parallel_loop3A_163, %parallel_loop3A_200 : vector<16xf32>
        %parallel_loop3A_202 = arith.constant 128 : i32
        %parallel_loop3A_203 = arith.muli %parallel_loop3A_155, %parallel_loop3A_202 : i32
        %parallel_loop3A_204 = arith.constant 16 : i32
        %parallel_loop3A_205 = arith.addi %parallel_loop3A_203, %parallel_loop3A_204 : i32
        %parallel_loop3A_206 = arith.index_cast %parallel_loop3A_205 : i32 to index
        %parallel_loop3A_207 = tpu.vector_load %arg11[%parallel_loop3A_206] {strides = array<i32>} : memref<16384xf32, #tpu.memory_space<vmem>>, vector<16xf32>,
        %parallel_loop3A_208 = vector.shape_cast %parallel_loop3A_207 : vector<16xf32> to vector<16xf32>
        %parallel_loop3A_209 = vector.shape_cast %parallel_loop3A_201 : vector<16xf32> to vector<16xf32>
        tpu.vector_store %arg11[%parallel_loop3A_206], %parallel_loop3A_209 {strides = array<i32>} : memref<16384xf32, #tpu.memory_space<vmem>>, vector<16xf32>,
        %parallel_loop3A_210 = arith.constant 11.3137083 : f32
        %parallel_loop3A_211 = vector.broadcast %parallel_loop3A_210 : f32 to vector<16xf32>
        %parallel_loop3A_212 = arith.mulf %parallel_loop3A_167, %parallel_loop3A_211 : vector<16xf32>
        %parallel_loop3A_213 = arith.constant 128 : i32
        %parallel_loop3A_214 = arith.muli %parallel_loop3A_155, %parallel_loop3A_213 : i32
        %parallel_loop3A_215 = arith.constant 32 : i32
        %parallel_loop3A_216 = arith.addi %parallel_loop3A_214, %parallel_loop3A_215 : i32
        %parallel_loop3A_217 = arith.index_cast %parallel_loop3A_216 : i32 to index
        %parallel_loop3A_218 = tpu.vector_load %arg11[%parallel_loop3A_217] {strides = array<i32>} : memref<16384xf32, #tpu.memory_space<vmem>>, vector<16xf32>,
        %parallel_loop3A_219 = vector.shape_cast %parallel_loop3A_218 : vector<16xf32> to vector<16xf32>
        %parallel_loop3A_220 = vector.shape_cast %parallel_loop3A_212 : vector<16xf32> to vector<16xf32>
        tpu.vector_store %arg11[%parallel_loop3A_217], %parallel_loop3A_220 {strides = array<i32>} : memref<16384xf32, #tpu.memory_space<vmem>>, vector<16xf32>,
        %parallel_loop3A_221 = arith.constant 11.3137083 : f32
        %parallel_loop3A_222 = vector.broadcast %parallel_loop3A_221 : f32 to vector<16xf32>
        %parallel_loop3A_223 = arith.mulf %parallel_loop3A_171, %parallel_loop3A_222 : vector<16xf32>
        %parallel_loop3A_224 = arith.constant 128 : i32
        %parallel_loop3A_225 = arith.muli %parallel_loop3A_155, %parallel_loop3A_224 : i32
        %parallel_loop3A_226 = arith.constant 48 : i32
        %parallel_loop3A_227 = arith.addi %parallel_loop3A_225, %parallel_loop3A_226 : i32
        %parallel_loop3A_228 = arith.index_cast %parallel_loop3A_227 : i32 to index
        %parallel_loop3A_229 = tpu.vector_load %arg11[%parallel_loop3A_228] {strides = array<i32>} : memref<16384xf32, #tpu.memory_space<vmem>>, vector<16xf32>,
        %parallel_loop3A_230 = vector.shape_cast %parallel_loop3A_229 : vector<16xf32> to vector<16xf32>
        %parallel_loop3A_231 = vector.shape_cast %parallel_loop3A_223 : vector<16xf32> to vector<16xf32>
        tpu.vector_store %arg11[%parallel_loop3A_228], %parallel_loop3A_231 {strides = array<i32>} : memref<16384xf32, #tpu.memory_space<vmem>>, vector<16xf32>,
        %parallel_loop3A_232 = arith.constant 11.3137083 : f32
        %parallel_loop3A_233 = vector.broadcast %parallel_loop3A_232 : f32 to vector<16xf32>
        %parallel_loop3A_234 = arith.mulf %parallel_loop3A_175, %parallel_loop3A_233 : vector<16xf32>
        %parallel_loop3A_235 = arith.constant 128 : i32
        %parallel_loop3A_236 = arith.muli %parallel_loop3A_155, %parallel_loop3A_235 : i32
        %parallel_loop3A_237 = arith.constant 64 : i32
        %parallel_loop3A_238 = arith.addi %parallel_loop3A_236, %parallel_loop3A_237 : i32
        %parallel_loop3A_239 = arith.index_cast %parallel_loop3A_238 : i32 to index
        %parallel_loop3A_240 = tpu.vector_load %arg11[%parallel_loop3A_239] {strides = array<i32>} : memref<16384xf32, #tpu.memory_space<vmem>>, vector<16xf32>,
        %parallel_loop3A_241 = vector.shape_cast %parallel_loop3A_240 : vector<16xf32> to vector<16xf32>
        %parallel_loop3A_242 = vector.shape_cast %parallel_loop3A_234 : vector<16xf32> to vector<16xf32>
        tpu.vector_store %arg11[%parallel_loop3A_239], %parallel_loop3A_242 {strides = array<i32>} : memref<16384xf32, #tpu.memory_space<vmem>>, vector<16xf32>,
        %parallel_loop3A_243 = arith.constant 11.3137083 : f32
        %parallel_loop3A_244 = vector.broadcast %parallel_loop3A_243 : f32 to vector<16xf32>
        %parallel_loop3A_245 = arith.mulf %parallel_loop3A_179, %parallel_loop3A_244 : vector<16xf32>
        %parallel_loop3A_246 = arith.constant 128 : i32
        %parallel_loop3A_247 = arith.muli %parallel_loop3A_155, %parallel_loop3A_246 : i32
        %parallel_loop3A_248 = arith.constant 80 : i32
        %parallel_loop3A_249 = arith.addi %parallel_loop3A_247, %parallel_loop3A_248 : i32
        %parallel_loop3A_250 = arith.index_cast %parallel_loop3A_249 : i32 to index
        %parallel_loop3A_251 = tpu.vector_load %arg11[%parallel_loop3A_250] {strides = array<i32>} : memref<16384xf32, #tpu.memory_space<vmem>>, vector<16xf32>,
        %parallel_loop3A_252 = vector.shape_cast %parallel_loop3A_251 : vector<16xf32> to vector<16xf32>
        %parallel_loop3A_253 = vector.shape_cast %parallel_loop3A_245 : vector<16xf32> to vector<16xf32>
        tpu.vector_store %arg11[%parallel_loop3A_250], %parallel_loop3A_253 {strides = array<i32>} : memref<16384xf32, #tpu.memory_space<vmem>>, vector<16xf32>,
        %parallel_loop3A_254 = arith.constant 11.3137083 : f32
        %parallel_loop3A_255 = vector.broadcast %parallel_loop3A_254 : f32 to vector<16xf32>
        %parallel_loop3A_256 = arith.mulf %parallel_loop3A_183, %parallel_loop3A_255 : vector<16xf32>
        %parallel_loop3A_257 = arith.constant 128 : i32
        %parallel_loop3A_258 = arith.muli %parallel_loop3A_155, %parallel_loop3A_257 : i32
        %parallel_loop3A_259 = arith.constant 96 : i32
        %parallel_loop3A_260 = arith.addi %parallel_loop3A_258, %parallel_loop3A_259 : i32
        %parallel_loop3A_261 = arith.index_cast %parallel_loop3A_260 : i32 to index
        %parallel_loop3A_262 = tpu.vector_load %arg11[%parallel_loop3A_261] {strides = array<i32>} : memref<16384xf32, #tpu.memory_space<vmem>>, vector<16xf32>,
        %parallel_loop3A_263 = vector.shape_cast %parallel_loop3A_262 : vector<16xf32> to vector<16xf32>
        %parallel_loop3A_264 = vector.shape_cast %parallel_loop3A_256 : vector<16xf32> to vector<16xf32>
        tpu.vector_store %arg11[%parallel_loop3A_261], %parallel_loop3A_264 {strides = array<i32>} : memref<16384xf32, #tpu.memory_space<vmem>>, vector<16xf32>,
        %parallel_loop3A_265 = arith.constant 11.3137083 : f32
        %parallel_loop3A_266 = vector.broadcast %parallel_loop3A_265 : f32 to vector<16xf32>
        %parallel_loop3A_267 = arith.mulf %parallel_loop3A_187, %parallel_loop3A_266 : vector<16xf32>
        %parallel_loop3A_268 = arith.constant 128 : i32
        %parallel_loop3A_269 = arith.muli %parallel_loop3A_155, %parallel_loop3A_268 : i32
        %parallel_loop3A_270 = arith.constant 112 : i32
        %parallel_loop3A_271 = arith.addi %parallel_loop3A_269, %parallel_loop3A_270 : i32
        %parallel_loop3A_272 = arith.index_cast %parallel_loop3A_271 : i32 to index
        %parallel_loop3A_273 = tpu.vector_load %arg11[%parallel_loop3A_272] {strides = array<i32>} : memref<16384xf32, #tpu.memory_space<vmem>>, vector<16xf32>,
        %parallel_loop3A_274 = vector.shape_cast %parallel_loop3A_273 : vector<16xf32> to vector<16xf32>
        %parallel_loop3A_275 = vector.shape_cast %parallel_loop3A_267 : vector<16xf32> to vector<16xf32>
        tpu.vector_store %arg11[%parallel_loop3A_272], %parallel_loop3A_275 {strides = array<i32>} : memref<16384xf32, #tpu.memory_space<vmem>>, vector<16xf32>,
      } {sc.loop_unroll_factor = 2 : i64, sc.parallel_access}
      %add3A_141 = arith.constant 2 : i32
      %add3A_142 = arith.addi %add3A_126, %add3A_141 : i32
      %lt3A_143 = arith.constant 200 : i32
      %lt3A_144 = arith.cmpi slt, %add3A_142, %lt3A_143 : i32
      %convert_element_type3A_145 = arith.extui %lt3A_144 : i1 to i32
      %cond3A_146 = arith.constant 0 : i32
      %cond3A_147 = arith.cmpi ne, %convert_element_type3A_145, %cond3A_146 : i32
      scf.if %cond3A_147 {
        %add3A_155 = arith.constant 2 : i32
        %add3A_156 = arith.addi %add3A_126, %add3A_155 : i32
        %dma_start3A_157 = arith.constant 0 : i32
        %dma_start3A_158 = tpu.memref_slice %arg5[%add3A_156, %dma_start3A_157] : memref<200x128xi32, #tpu.memory_space<vmem>> -> memref<1x128xi32, #tpu.memory_space<vmem>>
        %dma_start3A_159 = tpu.memref_squeeze %dma_start3A_158 : memref<1x128xi32, #tpu.memory_space<vmem>> -> memref<128xi32, #tpu.memory_space<vmem>>
        %dma_start3A_160 = arith.constant 0 : i32
        %dma_start3A_161 = arith.constant 0 : i32
        %dma_start3A_162 = tpu.memref_slice %arg3[%dma_start3A_160, %dma_start3A_161] : memref<100000x128xf32, #tpu.memory_space<hbm>> -> memref<100000x128xf32, #tpu.memory_space<hbm>>
        tpu.enqueue_indirect_dma source(%dma_start3A_162 : memref<100000x128xf32, #tpu.memory_space<hbm>>) target(%arg7 : memref<128x128xf32, #tpu.memory_space<vmem>>) offsets(%dma_start3A_159 : memref<128xi32, #tpu.memory_space<vmem>>) semaphore(%arg13 : memref<!tpu.dma_semaphore, #tpu.memory_space<semaphore_mem>>)
      } else {
      }
      %mul3A_148 = arith.constant 128 : i32
      %mul3A_149 = arith.muli %add3A_126, %mul3A_148 : i32
      %add3A_150 = arith.addi %mul3A_2, %mul3A_149 : i32
      %mul3A_151 = arith.constant 128 : i32
      %mul3A_152 = arith.muli %add3A_150, %mul3A_151 : i32
      %dma_start3A_153 = tpu.memref_slice %arg4[%mul3A_152] : memref<104857600xf32, #tpu.memory_space<hbm>> -> memref<16384xf32, #tpu.memory_space<hbm>>
      %dma_start3A_154 = tpu.memref_slice %arg4[%mul3A_152] : memref<104857600xf32, #tpu.memory_space<hbm>> -> memref<16384xf32, #tpu.memory_space<hbm>>
      tpu.enqueue_dma source(%arg11 : memref<16384xf32, #tpu.memory_space<vmem>>) target(%dma_start3A_154 : memref<16384xf32, #tpu.memory_space<hbm>>) target_semaphore(%arg17 : memref<!tpu.dma_semaphore, #tpu.memory_space<semaphore_mem>>)
    }
    %scan3A_19 = arith.constant 50 : i32
    %dma_wait3A = arith.constant 0 : i32
    %dma_wait3A_20 = tpu.memref_slice %arg4[%dma_wait3A] : memref<104857600xf32, #tpu.memory_space<hbm>> -> memref<16384xf32, #tpu.memory_space<hbm>>
    %dma_wait3A_21 = arith.constant 0 : i32
    %dma_wait3A_22 = tpu.memref_slice %arg4[%dma_wait3A_21] : memref<104857600xf32, #tpu.memory_space<hbm>> -> memref<16384xf32, #tpu.memory_space<hbm>>
    tpu.wait_dma2 semaphore(%arg14 : memref<!tpu.dma_semaphore, #tpu.memory_space<semaphore_mem>>) src(%arg8 : memref<16384xf32, #tpu.memory_space<vmem>>) dst(%dma_wait3A_22 : memref<16384xf32, #tpu.memory_space<hbm>>)
    %dma_wait3A_23 = arith.constant 0 : i32
    %dma_wait3A_24 = tpu.memref_slice %arg4[%dma_wait3A_23] : memref<104857600xf32, #tpu.memory_space<hbm>> -> memref<16384xf32, #tpu.memory_space<hbm>>
    %dma_wait3A_25 = arith.constant 0 : i32
    %dma_wait3A_26 = tpu.memref_slice %arg4[%dma_wait3A_25] : memref<104857600xf32, #tpu.memory_space<hbm>> -> memref<16384xf32, #tpu.memory_space<hbm>>
    tpu.wait_dma2 semaphore(%arg15 : memref<!tpu.dma_semaphore, #tpu.memory_space<semaphore_mem>>) src(%arg9 : memref<16384xf32, #tpu.memory_space<vmem>>) dst(%dma_wait3A_26 : memref<16384xf32, #tpu.memory_space<hbm>>)
    %dma_wait3A_27 = arith.constant 0 : i32
    %dma_wait3A_28 = tpu.memref_slice %arg4[%dma_wait3A_27] : memref<104857600xf32, #tpu.memory_space<hbm>> -> memref<16384xf32, #tpu.memory_space<hbm>>
    %dma_wait3A_29 = arith.constant 0 : i32
    %dma_wait3A_30 = tpu.memref_slice %arg4[%dma_wait3A_29] : memref<104857600xf32, #tpu.memory_space<hbm>> -> memref<16384xf32, #tpu.memory_space<hbm>>
    tpu.wait_dma2 semaphore(%arg16 : memref<!tpu.dma_semaphore, #tpu.memory_space<semaphore_mem>>) src(%arg10 : memref<16384xf32, #tpu.memory_space<vmem>>) dst(%dma_wait3A_30 : memref<16384xf32, #tpu.memory_space<hbm>>)
    %dma_wait3A_31 = arith.constant 0 : i32
    %dma_wait3A_32 = tpu.memref_slice %arg4[%dma_wait3A_31] : memref<104857600xf32, #tpu.memory_space<hbm>> -> memref<16384xf32, #tpu.memory_space<hbm>>
    %dma_wait3A_33 = arith.constant 0 : i32
    %dma_wait3A_34 = tpu.memref_slice %arg4[%dma_wait3A_33] : memref<104857600xf32, #tpu.memory_space<hbm>> -> memref<16384xf32, #tpu.memory_space<hbm>>
    tpu.wait_dma2 semaphore(%arg17 : memref<!tpu.dma_semaphore, #tpu.memory_space<semaphore_mem>>) src(%arg11 : memref<16384xf32, #tpu.memory_space<vmem>>) dst(%dma_wait3A_34 : memref<16384xf32, #tpu.memory_space<hbm>>)
    return
  }
}

</mosaic_0001>

<sc_bundles>
// kernel: kernel.3.cloned.1.call-start
scs
__scs_entry_jumppad:
0x0: {  	(pc) =	sbr.rel $0x88, $3  }
0x1: {  	(tag) =	ssettag $0x0;
	lr =	simm.s32 $0x1  }
0x2: {  	[smem:$0x3F9F] =	sst lr;
	_ =	strace $0xD0000000  }
0x3: {  	_ = 	snop  }
0x4: {  	_ = 	snop  }
0x5: {  	_ = 	snop  }
0x6: {  	_ = 	snop  }
0x7: {  	_ = 	snop  }
__scs_overlays_trampoline_lowered:
0x8: {  	[smem:$0x3FAE] =	sst s0  }
0x9: {  	[smem:$0x3FAF] =	sst s1  }
0xa: {  	[smem:$0x3FB0] =	sst s2  }
0xb: {  	[smem:$0x3FB1] =	sst s3  }
0xc: {  	[smem:$0x3FB2] =	sst s4  }
0xd: {  	[smem:$0x3FB3] =	sst s5  }
0xe: {  	[smem:$0x3FB4] =	sst s6  }
0xf: {  	[smem:$0x3FB5] =	sst s7  }
0x10: {  	[smem:$0x3FB6] =	sst s8  }
0x11: {  	[smem:$0x3FB7] =	sst s9;
	s0 =	simm.s32 @!p0 $0x0  }
0x12: {  	s1 =	sld [smem:$0x3F9D];
	s0 =	simm.s32 @p0 $0x1  }
0x13: {  	[smem:$0x3FB8] =	sst s0;
	s0 =	simm.s32 @!p1 $0x0  }
0x14: {  	s2 =	sld [smem:$0x3F9C];
	s0 =	simm.s32 @p1 $0x1  }
0x15: {  	[smem:$0x3FB9] =	sst s0;
	s0 =	simm.s32 @!p2 $0x0  }
0x16: {  	s3 =	sld [smem:$0x3FDB];
	s0 =	simm.s32 @p2 $0x1  }
0x17: {  	s4 =	simm.s32 $0x1BF5;
	[smem:$0x3FBB] =	sst s0  }
0x18: {  	s0 =	sld [smem:$0x3F9E];
	_ =	swait.ge [sflag:s4], $0x0  }
0x19: {  	s7 =	sld [smem:$0x3F9F]  }
0x1a: {  	s8 =	sadd.s32 $0xFFFFE003, lr  }
0x1b: {  	s9 =	sadd.s32 $0xFFFFFEF7, lr;
	s5 =	simm.s32 $0xFFFFFFFF;
	p2 =	slt.u32 s8, $0xFFFFF086  }
0x1c: {  	p1 =	slt.u32 s9, $0xF7A;
	s5 =	simm.s32 @!p2 $0x0  }
0x1d: {  	s5 =	simm.s32 @p1 $0x1;
	p0 =	seq.s32 s7, s2  }
0x1e: {  	s7 =	smul.u32 @!p0 $0xF7A, s2;
	p2 =	seq.s32 @!p0 s5, $0x0  }
0x1f: {  	s9 =	smul.u32 $0xF7A, s1;
	s8 =	simm.s32 @!p0 $0x1BF5;
	p2 =	por !p2, p0  }
0x20: {  	[sflag:s8] =	ssyncset.s32 @!p0 $0xFFFFF086;
	s6 =	sadd.s32 @!p0 s3, s7;
	s7 =	simm.s32 @!p0 $0x108  }
0x21: {  	s3 =	sadd.s32 s3, s9;
	s6 =	sadd.s32 @!p0 $0x88, s6;
	s7 =	simm.s32 @p2 $0x1082  }
0x22: {  	[simem:s7], [sflag:s8] =	dma.local @!p0 [hbm:s6], $0xF7A  }
0x23: {  	s9 =	sor.u32 $0xD0000000, s2;
	s6 =	simm.s32 $0x108;
	_ =	swait.ge @!p0 [sflag:s8], $0x0  }
0x24: {  	s3 =	sadd.s32 $0x88, s3;
	s6 =	simm.s32 @!p1 $0x1082;
	[sflag:s4] =	ssyncset.s32 $0xFFFFF086  }
0x25: {  	[simem:s6], [sflag:s4] =	dma.local [hbm:s3], $0xF7A  }
0x26: {  	[smem:$0x3F9F] =	sst s1;
	(tag) =	ssettag s2;
	_ =	strace s9  }
0x27: {  	s1 =	sld [smem:$0x3FAF]  }
0x28: {  	s2 =	sld [smem:$0x3FB0]  }
0x29: {  	s4 =	sld [smem:$0x3FB2]  }
0x2a: {  	p0 =	seq.s32 s5, $0x0;
	s5 =	sld [smem:$0x3FB3]  }
0x2b: {  	s6 =	sld [smem:$0x3FB4]  }
0x2c: {  	s7 =	sld [smem:$0x3FB5]  }
0x2d: {  	s3 =	simm.s32 $0x108;
	s8 =	sld [smem:$0x3FB6]  }
0x2e: {  	s3 =	simm.s32 @!p0 $0x1082;
	s9 =	sld [smem:$0x3FB7]  }
0x2f: {  	lr =	sadd.s32 s0, s3;
	s0 =	sld [smem:$0x3FAE]  }
0x30: {  	s3 =	sld [smem:$0x3FB1]  }
0x31: {  	[smem:$0x3FBA] =	sst s10  }
0x32: {  	s10 =	sld [smem:$0x3FB8];
	_ =	sdelay $0x3  }
0x33: {  	p0 =	seq.s32 s10, $0x1;
	s10 =	sld [smem:$0x3FBA];
	_ =	sdelay $0x3  }
0x34: {  	[smem:$0x3FBA] =	sst s10  }
0x35: {  	s10 =	sld [smem:$0x3FB9];
	_ =	sdelay $0x3  }
0x36: {  	p1 =	seq.s32 s10, $0x1;
	s10 =	sld [smem:$0x3FBA];
	_ =	sdelay $0x3  }
0x37: {  	[smem:$0x3FBA] =	sst s10  }
0x38: {  	s10 =	sld [smem:$0x3FBB]  }
0x39: {  	_ = 	snop;
	(pc) =	sbr.ind lr, $3  }
0x3a: {  	_ = 	snop  }
0x3b: {  	_ = 	snop  }
0x3c: {  	p2 =	seq.s32 s10, $0x1;
	s10 =	sld [smem:$0x3FBA]  }
0x3d: {  	_ =	shalt  }
0x3e: {  	_ =	shalt  }
0x3f: {  	_ =	shalt  }
0x40: {  	_ =	shalt  }
0x41: {  	_ =	shalt  }
0x42: {  	_ =	shalt  }
0x43: {  	_ =	shalt  }
0x44: {  	_ =	shalt  }
0x45: {  	_ =	shalt  }
0x46: {  	_ =	shalt  }
0x47: {  	_ =	shalt  }
0x48: {  	_ =	shalt  }
0x49: {  	_ =	shalt  }
0x4a: {  	_ =	shalt  }
0x4b: {  	_ =	shalt  }
0x4c: {  	_ =	shalt  }
0x4d: {  	_ =	shalt  }
0x4e: {  	_ =	shalt  }
0x4f: {  	_ =	shalt  }
0x50: {  	_ =	shalt  }
0x51: {  	_ =	shalt  }
0x52: {  	_ =	shalt  }
0x53: {  	_ =	shalt  }
0x54: {  	_ =	shalt  }
0x55: {  	_ =	shalt  }
0x56: {  	_ =	shalt  }
0x57: {  	_ =	shalt  }
0x58: {  	_ =	shalt  }
0x59: {  	_ =	shalt  }
0x5a: {  	_ =	shalt  }
0x5b: {  	_ =	shalt  }
0x5c: {  	_ =	shalt  }
0x5d: {  	_ =	shalt  }
0x5e: {  	_ =	shalt  }
0x5f: {  	_ =	shalt  }
0x60: {  	_ =	shalt  }
0x61: {  	_ =	shalt  }
0x62: {  	_ =	shalt  }
0x63: {  	_ =	shalt  }
0x64: {  	_ =	shalt  }
0x65: {  	_ =	shalt  }
0x66: {  	_ =	shalt  }
0x67: {  	_ =	shalt  }
0x68: {  	_ =	shalt  }
0x69: {  	_ =	shalt  }
0x6a: {  	_ =	shalt  }
0x6b: {  	_ =	shalt  }
0x6c: {  	_ =	shalt  }
0x6d: {  	_ =	shalt  }
0x6e: {  	_ =	shalt  }
0x6f: {  	_ =	shalt  }
0x70: {  	_ =	shalt  }
0x71: {  	_ =	shalt  }
0x72: {  	_ =	shalt  }
0x73: {  	_ =	shalt  }
0x74: {  	_ =	shalt  }
0x75: {  	_ =	shalt  }
0x76: {  	_ =	shalt  }
0x77: {  	_ =	shalt  }
0x78: {  	_ =	shalt  }
0x79: {  	_ =	shalt  }
0x7a: {  	_ =	shalt  }
0x7b: {  	_ =	shalt  }
0x7c: {  	_ =	shalt  }
0x7d: {  	_ =	shalt  }
0x7e: {  	_ =	shalt  }
0x7f: {  	_ =	shalt  }
0x80: {  	_ =	shalt  }
0x81: {  	_ =	shalt  }
0x82: {  	_ =	shalt  }
0x83: {  	_ =	shalt  }
0x84: {  	_ =	shalt  }
0x85: {  	_ =	shalt  }
0x86: {  	_ =	shalt  }
0x87: {  	_ =	shalt  }
.Lfunc_end0:
.L_simem_size_0:
called_computation_lowered:
.L_overlay_start_0:
0x88: {  	s2 =	sld [smem:$0x3FD9]  }
0x89: {  	s3 =	sld [smem:$0x3FFE];
	_ =	sdelay $0x1  }
0x8a: {  	s1 =	srdreg.scid  }
0x8b: {  	s0 =	sand.u32 $0x1, s1  }
0x8c: {  	s17 =	sshll.u32 s0, $0xA;
	s2 =	sadd.s32 s3, s2  }
0x8d: {  	s2 =	sadd.s32 s2, s17  }
0x8e: {  	[smem:$0x3FC6] =	sst s2  }
0x8f: {  	_ = 	snop  }
0x90: {  	s2 =	sld [smem:$0x3FC8]  }
0x91: {  	s18 =	sld [smem:$0x3FD0];
	(tm) =	ssettm $0x1  }
0x92: {  	s4 =	sld [smem:$0x3FFB];
	_ =	sdelay $0x3  }
0x93: {  	_ =	strace s4  }
0x94: {  	s4 =	sld [smem:$0x3FFC];
	_ =	sdelay $0x3  }
0x95: {  	_ =	strace s4  }
0x96: {  	s4 =	sld [smem:$0x3FFD];
	_ =	sdelay $0x3  }
0x97: {  	_ =	strace s4  }
0x98: {  	_ =	strace $0x8FFFFFFF  }
0x99: {  	s19 =	sld [smem:$0x3FDB];
	_ =	sdelay $0x1  }
0x9a: {  	s5 =	simm.s32 $_scs_section_size  }
0x9b: {  	s6 =	simm.s32 $_size__tile_overlayer_lowered;
	s7 =	simm.s32 $_tile_overlayer_lowered  }
0x9c: {  	s22 =	simm.s32 $0x1BFF;
	s21 =	sshll.u32 s7, $0x1;
	s4 =	sadd.s32 s5, s19  }
0x9d: {  	s8 =	simm.s32 $0x0;
	s20 =	sshll.u32 s6, $0x1;
	s6 =	sadd.s32 s21, s4  }
0x9e: {  	[timem:s8], [sflag:s22] =	dma.local [hbm:s6], s20  }
0x9f: {  	_ =	swait.ge [sflag:s22], s20  }
0xa0: {  	s5 =	ssub.s32 $0x0, s20;
	[sflag:s22] =	ssyncset.done $0x0  }
0xa1: {  	[sflag:s22] =	ssyncadd.s32 s5;
	_ =	sdelay $0x1  }
0xa2: {  	s23 =	simm.s32 $0x1B8B  }
0xa3: {  	_ =	swait.ge [sflag:s23], $0x1  }
0xa4: {  	[sflag:s23] =	ssyncset.done $0x0  }
0xa5: {  	s25 =	simm.s32 $0x1B8E;
	s24 =	sld [smem:$0x3FFE];
	[sflag:s23] =	ssyncadd.s32 $0xFFFFFFFF  }
0xa6: {  	s26 =	simm.s32 $execute0_lowered;
	[smem:$0x3FD2] =	sst s25  }
0xa7: {  	s6 =	sshll.u32 s26, $0x1;
	_ =	strace $0x80000046;
	[dreg:$0x1] =	wrdreg $0xFFFFFFFF  }
0xa8: {  	s28 =	simm.s32 $_size_execute0_lowered;
	s4 =	sadd.s32 s4, s6;
	[dreg:$0x0] =	wrdreg $0x0  }
0xa9: {  	s6 =	sshll.u32 s28, $0x1;
	[dreg:$0x2] =	wrdreg s4  }
0xaa: {  	[dreg:$0x3] =	wrdreg s6  }
0xab: {  	[dreg:$0x4] =	wrdreg $0xC0  }
0xac: {  	_ =	task [dreg:s8], $0x5FFFF  }
0xad: {  	[dreg:$0x1] =	wrdreg $0xFFFFFFFF  }
0xae: {  	[dreg:$0x0] =	wrdreg $0x60  }
0xaf: {  	[dreg:$0x2] =	wrdreg s24  }
0xb0: {  	[dreg:$0x3] =	wrdreg s2  }
0xb1: {  	[dreg:$0x4] =	wrdreg s18  }
0xb2: {  	[dreg:$0x5] =	wrdreg $0x9  }
0xb3: {  	_ =	task.clear_ibuf [dreg:s8], $0x6FFFF;
	_ =	strace $0x90000046  }
0xb4: {  	s29 =	simm.s32 $0x9;
	_ =	strace $0x80000048  }
0xb5: {  	_ =	swait.ge [sflag:s29], $0x1  }
0xb6: {  	[sflag:s29] =	ssyncadd.s32 $0xFFFFFFFF  }
0xb7: {  	_ =	strace $0x90000048  }
0xb8: {  	_ =	sfence  }
0xb9: {  	s30 =	sld [smem:$0x0];
	_ =	sdelay $0x2  }
0xba: {  	s31 =	sshll.u32 s1, $0xD;
	s1 =	sshrl.u32 s1, $0x2  }
0xbb: {  	s3 =	sand.u32 $0x4000, s31;
	s1 =	sadd.s32 s1, s30  }
0xbc: {  	s0 =	sor.u32 s3, s0;
	s1 =	sshll.u32 s1, $0x11  }
0xbd: {  	s0 =	sor.u32 s1, s0  }
0xbe: {  	s0 =	sadd.s32 $0x8F2B, s0  }
0xbf: {  	[sflag:s0] =	ssyncadd.remote.s32 $0x1  }
0xc0: {  	_ =	sfence.sel $0xFFFF  }
0xc1: {  	[dreg:$0x0] =	wrdreg $0xFFFFFFFF;
	(pc) =	sbr.abs _section_cstart, $3  }
0xc2: {  	[dreg:$0x1] =	wrdreg $0xFFFFFFFF  }
0xc3: {  	_ =	task.clear_ibuf [dreg:s8], $0x2FFFF;
	_ =	strace $0x9FFFFFFF  }
0xc4: {  	(tm) =	ssettm $0x7FFFFFFF  }
0xc5: {  	_ =	shalt  }
tec
execute0_lowered:
.L_overlay_start_1:
0x0: {  	(tag) =	ssettag $0x1  }
0x1: {  	s5 =	rddreg [dreg:$0x0]  }
0x2: {  	s1 =	srdreg.scid;
	s2 =	rddreg [dreg:$0x1]  }
0x3: {  	s0 =	stileid.u32;
	s3 =	rddreg [dreg:$0x2]  }
0x4: {  	s4 =	simm.s32 $0x0;
	s10 =	simm.s32 $0x80;
	s11 =	simm.s32 $0x6400  }
0x5: {  	s12 =	simm.s32 $0xA400;
	s13 =	simm.s32 $0x1;
	s14 =	simm.s32 $0xE400  }
0x6: {  	s15 =	simm.s32 $0x2;
	s16 =	simm.s32 $0x12400;
	s17 =	simm.s32 $0x16400  }
0x7: {  	s18 =	simm.s32 $0x1A400;
	s19 =	simm.s32 $0x3;
	s20 =	simm.s32 $0x4  }
0x8: {  	s21 =	simm.s32 $0x5;
	s6 =	sand.u32 $0x1, s1;
	s30 =	sshll.u32 s0, $0x1  }
0x9: {  	s22 =	simm.s32 $0x6;
	s23 =	simm.s32 $0x0;
	s7 =	sor.u32 s6, s30  }
0xa: {  	s1 =	rddreg [dreg:$0x3];
	s6 =	ssub.s32 $0x2, s6;
	s8 =	smul.u32 $0xC80, s7  }
0xb: {  	[smem:$0x7FF] =	sst s4;
	s9 =	smul.u32 $0x64000, s7;
	s31 =	sshrl.u32 s6, $0x1  }
0xc: {  	_ =	strace $0x80000047;
	s5 =	sadd.s32 s8, s5;
	s8 =	ssub.s32 s6, s31  }
0xd: {  	s9 =	sadd.s32 s9, s3;
	s6 =	smul.u32 $0x320000, s7;
	s5 =	sadd.s32 $0x400, s5  }
0xe: {  	s7 =	smax.u32 s8, $0x1;
	s8 =	sadd.s32 $0x800, s9;
	s9 =	simm.s32 $0x7  }
.LBB2_1:
0xf: {  	[tilespmem:s4], [sflag:$0x7] =	stream.linear.gather [hbm4b:s5+s4], $0x6400, $0x38;
	[tilespmem:$0x1E400] =	vst v63  }
0x10: {  	_ =	swait.ge [sflag:s9], $0x6400  }
0x11: {  	[sflag:s9] =	ssyncset.done $0x0  }
0x12: {  	[sflag:s9] =	ssyncadd.s32 $0xFFFF9C00  }
0x13: {  	[tilespmem:s11], [sflag:$0x1] =	stream.indirect.gather [hbm4b:s2+s10], $0x80, s4, s10, $0xb8;
	[tilespmem:$0x1E400] =	vst v63  }
0x14: {  	s24 =	simm.s32 $0x0  }
0x15: {  	[tilespmem:s12], [sflag:$0x2] =	stream.indirect.gather [hbm4b:s2+s10], $0x80, s10, s10, $0xb8;
	[tilespmem:$0x1E400] =	vst v63  }
.LBB2_2:
0x16: {  	_ =	swait.ge [sflag:s13], $0x4000  }
0x17: {  	p0 =	seq.s32 s24, $0x0;
	[sflag:s13] =	ssyncset.done $0x0  }
0x18: {  	s25 =	simm.s32 @!p0 $0x3;
	[sflag:s13] =	ssyncadd.s32 $0xFFFFC000  }
0x19: {  	_ =	swait.ge @!p0 [sflag:s25], $0x4000  }
0x1a: {  	[sflag:s25] =	ssyncset.done @!p0 $0x0  }
0x1b: {  	s31 =	simm.s32 $0x6480;
	[sflag:s25] =	ssyncadd.s32 @!p0 $0xFFFFC000  }
0x1c: {  	v0 =	vld [tilespmem:s31+$0x70]  }
0x1d: {  	v1 =	vld [tilespmem:s31+$0x0]  }
0x1e: {  	v2 =	vld [tilespmem:s31+$0x10]  }
0x1f: {  	v3 =	vld [tilespmem:s31+$0x20]  }
0x20: {  	v4 =	vld [tilespmem:s31+$0x30]  }
0x21: {  	v5 =	vld [tilespmem:s31+$0x40];
	v0 =	vmul.f32 $1.131370830e+01, v0  }
0x22: {  	s28 =	simm.s32 $0xE480;
	v6 =	vld [tilespmem:s31+$0x50];
	v1 =	vmul.f32 $1.131370830e+01, v1  }
0x23: {  	v7 =	vld [tilespmem:s31+$0x60];
	v2 =	vmul.f32 $1.131370830e+01, v2;
	[tilespmem:s28+$0x70] =	vst v0  }
0x24: {  	v8 =	vld [tilespmem:s31+$0xFFFFFF90];
	[tilespmem:s28+$0x0] =	vst v1;
	v0 =	vmul.f32 $1.131370830e+01, v3  }
0x25: {  	v9 =	vld [tilespmem:s31+$0xFFFFFFA0];
	[tilespmem:s28+$0x10] =	vst v2;
	v1 =	vmul.f32 $1.131370830e+01, v4  }
0x26: {  	v10 =	vld [tilespmem:s31+$0xFFFFFFB0];
	v2 =	vmul.f32 $1.131370830e+01, v5;
	[tilespmem:s28+$0x20] =	vst v0  }
0x27: {  	v3 =	vmul.f32 $1.131370830e+01, v6;
	v0 =	vld [tilespmem:s31+$0xFFFFFFC0];
	[tilespmem:s28+$0x30] =	vst v1  }
0x28: {  	v4 =	vmul.f32 $1.131370830e+01, v7;
	v1 =	vld [tilespmem:s31+$0xFFFFFFD0];
	[tilespmem:s28+$0x40] =	vst v2  }
0x29: {  	v6 =	vmul.f32 $1.131370830e+01, v8;
	v2 =	vld [tilespmem:s31+$0xFFFFFFE0];
	[tilespmem:s28+$0x50] =	vst v3  }
0x2a: {  	v5 =	vmul.f32 $1.131370830e+01, v9;
	v3 =	vld [tilespmem:s31+$0xFFFFFFF0];
	[tilespmem:s28+$0x60] =	vst v4  }
0x2b: {  	s26 =	sshll.u32 s24, $0x2;
	s29 =	simm.s32 $0x6580;
	s25 =	simm.s32 $0x0;
	v4 =	vld [tilespmem:s31+$0xFFFFFF80];
	[tilespmem:s28+$0xFFFFFF90] =	vst v6;
	v6 =	vmul.f32 $1.131370830e+01, v10  }
.LBB2_3:
0x2c: {  	v7 =	vld [tilespmem:s29+$0x70];
	s25 =	sadd.s32 $0x2, s25;
	[tilespmem:s28+$0xFFFFFFA0] =	vst v5;
	v0 =	vmul.f32 $1.131370830e+01, v0  }
0x2d: {  	v5 =	vld [tilespmem:s29+$0x0];
	p1 =	slt.u32 s25, $0x7E;
	[tilespmem:s28+$0xFFFFFFB0] =	vst v6;
	v1 =	vmul.f32 $1.131370830e+01, v1  }
0x2e: {  	v6 =	vld [tilespmem:s29+$0x10];
	[tilespmem:s28+$0xFFFFFFC0] =	vst v0;
	v0 =	vmul.f32 $1.131370830e+01, v2  }
0x2f: {  	v2 =	vld [tilespmem:s29+$0x20];
	[tilespmem:s28+$0xFFFFFFD0] =	vst v1;
	v1 =	vmul.f32 $1.131370830e+01, v3  }
0x30: {  	v3 =	vld [tilespmem:s29+$0x30];
	v4 =	vmul.f32 $1.131370830e+01, v4;
	[tilespmem:s28+$0xFFFFFFE0] =	vst v0  }
0x31: {  	v0 =	vld [tilespmem:s29+$0x40];
	v7 =	vmul.f32 $1.131370830e+01, v7;
	[tilespmem:s28+$0xFFFFFFF0] =	vst v1  }
0x32: {  	v1 =	vld [tilespmem:s29+$0x50];
	v5 =	vmul.f32 $1.131370830e+01, v5;
	[tilespmem:s28+$0xFFFFFF80] =	vst v4;
	s28 =	sadd.s32 $0x100, s28  }
0x33: {  	v4 =	vld [tilespmem:s29+$0x60];
	v6 =	vmul.f32 $1.131370830e+01, v6;
	[tilespmem:s28+$0x70] =	vst v7  }
0x34: {  	v7 =	vld [tilespmem:s29+$0xFFFFFF90];
	[tilespmem:s28+$0x0] =	vst v5;
	v2 =	vmul.f32 $1.131370830e+01, v2  }
0x35: {  	v5 =	vld [tilespmem:s29+$0xFFFFFFA0];
	[tilespmem:s28+$0x10] =	vst v6;
	v3 =	vmul.f32 $1.131370830e+01, v3  }
0x36: {  	v6 =	vld [tilespmem:s29+$0xFFFFFFB0];
	[tilespmem:s28+$0x20] =	vst v2;
	v2 =	vmul.f32 $1.131370830e+01, v0  }
.Ltmp0:
0x37: {  	v0 =	vld [tilespmem:s29+$0xFFFFFFC0];
	[tilespmem:s28+$0x30] =	vst v3;
	v3 =	vmul.f32 $1.131370830e+01, v1;
	(pc) =	sbr.rel @p1 .LBB2_3-.Ltmp0, $4  }
0x38: {  	v1 =	vld [tilespmem:s29+$0xFFFFFFD0];
	[tilespmem:s28+$0x40] =	vst v2;
	v4 =	vmul.f32 $1.131370830e+01, v4  }
0x39: {  	v2 =	vld [tilespmem:s29+$0xFFFFFFE0];
	v7 =	vmul.f32 $1.131370830e+01, v7;
	[tilespmem:s28+$0x50] =	vst v3  }
0x3a: {  	v3 =	vld [tilespmem:s29+$0xFFFFFFF0];
	v5 =	vmul.f32 $1.131370830e+01, v5;
	[tilespmem:s28+$0x60] =	vst v4  }
0x3b: {  	v4 =	vld [tilespmem:s29+$0xFFFFFF80];
	[tilespmem:s28+$0xFFFFFF90] =	vst v7;
	v6 =	vmul.f32 $1.131370830e+01, v6;
	s29 =	sadd.s32 $0x100, s29  }
0x3c: {  	[tilespmem:s28+$0xFFFFFFA0] =	vst v5;
	v0 =	vmul.f32 $1.131370830e+01, v0  }
0x3d: {  	[tilespmem:s28+$0xFFFFFFB0] =	vst v6;
	v1 =	vmul.f32 $1.131370830e+01, v1  }
0x3e: {  	[tilespmem:s28+$0xFFFFFFC0] =	vst v0;
	v0 =	vmul.f32 $1.131370830e+01, v2  }
0x3f: {  	[tilespmem:s28+$0xFFFFFFD0] =	vst v1;
	v1 =	vmul.f32 $1.131370830e+01, v3  }
0x40: {  	s25 =	sor.u32 $0x2, s26;
	v2 =	vmul.f32 $1.131370830e+01, v4;
	[tilespmem:s28+$0xFFFFFFE0] =	vst v0  }
0x41: {  	s29 =	sshll.u32 s25, $0x7;
	[tilespmem:s28+$0xFFFFFFF0] =	vst v1  }
0x42: {  	[tilespmem:s28+$0xFFFFFF80] =	vst v2;
	s28 =	sand.u32 $0x3FFFFF80, s29  }
0x43: {  	[tilespmem:s11], [sflag:$0x1] =	stream.indirect.gather [hbm4b:s2+s10], $0x80, s28, s10, $0xb8;
	[tilespmem:$0x1E400] =	vst v63  }
0x44: {  	s28 =	sshll.u32 s24, $0x10  }
0x45: {  	s28 =	sadd.s32 s6, s28  }
0x46: {  	s28 =	sshrl.u32 s28, $0x3  }
0x47: {  	s28 =	sadd.s32 s3, s28  }
0x48: {  	[hbm4b:s28+s4] =	stream.linear.scatter [tilespmem:s14], [sflag:$0x3], $0x4000, $0x38;
	[tilespmem:$0x1E400] =	vst v63  }
0x49: {  	_ =	swait.ge [sflag:s15], $0x4000  }
0x4a: {  	[sflag:s15] =	ssyncset.done $0x0  }
0x4b: {  	s28 =	simm.s32 @!p0 $0x4;
	[sflag:s15] =	ssyncadd.s32 $0xFFFFC000  }
0x4c: {  	_ =	swait.ge @!p0 [sflag:s28], $0x4000  }
0x4d: {  	[sflag:s28] =	ssyncset.done @!p0 $0x0  }
0x4e: {  	s29 =	simm.s32 $0xA480;
	[sflag:s28] =	ssyncadd.s32 @!p0 $0xFFFFC000  }
0x4f: {  	v0 =	vld [tilespmem:s29+$0x70]  }
0x50: {  	v1 =	vld [tilespmem:s29+$0x0]  }
0x51: {  	v2 =	vld [tilespmem:s29+$0x10]  }
0x52: {  	v3 =	vld [tilespmem:s29+$0x20]  }
0x53: {  	v4 =	vld [tilespmem:s29+$0x30]  }
0x54: {  	v5 =	vld [tilespmem:s29+$0x40];
	v0 =	vmul.f32 $1.131370830e+01, v0  }
0x55: {  	s28 =	simm.s32 $0x12480;
	v6 =	vld [tilespmem:s29+$0x50];
	v1 =	vmul.f32 $1.131370830e+01, v1  }
0x56: {  	v7 =	vld [tilespmem:s29+$0x60];
	v2 =	vmul.f32 $1.131370830e+01, v2;
	[tilespmem:s28+$0x70] =	vst v0  }
0x57: {  	v8 =	vld [tilespmem:s29+$0xFFFFFF90];
	[tilespmem:s28+$0x0] =	vst v1;
	v0 =	vmul.f32 $1.131370830e+01, v3  }
0x58: {  	v9 =	vld [tilespmem:s29+$0xFFFFFFA0];
	[tilespmem:s28+$0x10] =	vst v2;
	v1 =	vmul.f32 $1.131370830e+01, v4  }
0x59: {  	v10 =	vld [tilespmem:s29+$0xFFFFFFB0];
	v2 =	vmul.f32 $1.131370830e+01, v5;
	[tilespmem:s28+$0x20] =	vst v0  }
0x5a: {  	v3 =	vmul.f32 $1.131370830e+01, v6;
	v0 =	vld [tilespmem:s29+$0xFFFFFFC0];
	[tilespmem:s28+$0x30] =	vst v1  }
0x5b: {  	v4 =	vmul.f32 $1.131370830e+01, v7;
	v1 =	vld [tilespmem:s29+$0xFFFFFFD0];
	[tilespmem:s28+$0x40] =	vst v2  }
0x5c: {  	v6 =	vmul.f32 $1.131370830e+01, v8;
	v2 =	vld [tilespmem:s29+$0xFFFFFFE0];
	[tilespmem:s28+$0x50] =	vst v3  }
0x5d: {  	v5 =	vmul.f32 $1.131370830e+01, v9;
	v3 =	vld [tilespmem:s29+$0xFFFFFFF0];
	[tilespmem:s28+$0x60] =	vst v4  }
0x5e: {  	s30 =	simm.s32 $0xA580;
	v4 =	vld [tilespmem:s29+$0xFFFFFF80];
	s29 =	simm.s32 $0x0;
	[tilespmem:s28+$0xFFFFFF90] =	vst v6;
	v6 =	vmul.f32 $1.131370830e+01, v10  }
.LBB2_5:
0x5f: {  	v7 =	vld [tilespmem:s30+$0x70];
	s29 =	sadd.s32 $0x2, s29;
	[tilespmem:s28+$0xFFFFFFA0] =	vst v5;
	v0 =	vmul.f32 $1.131370830e+01, v0  }
0x60: {  	v5 =	vld [tilespmem:s30+$0x0];
	p1 =	slt.u32 s29, $0x7E;
	[tilespmem:s28+$0xFFFFFFB0] =	vst v6;
	v1 =	vmul.f32 $1.131370830e+01, v1  }
0x61: {  	v6 =	vld [tilespmem:s30+$0x10];
	[tilespmem:s28+$0xFFFFFFC0] =	vst v0;
	v0 =	vmul.f32 $1.131370830e+01, v2  }
0x62: {  	v2 =	vld [tilespmem:s30+$0x20];
	[tilespmem:s28+$0xFFFFFFD0] =	vst v1;
	v1 =	vmul.f32 $1.131370830e+01, v3  }
0x63: {  	v3 =	vld [tilespmem:s30+$0x30];
	v4 =	vmul.f32 $1.131370830e+01, v4;
	[tilespmem:s28+$0xFFFFFFE0] =	vst v0  }
0x64: {  	v0 =	vld [tilespmem:s30+$0x40];
	v7 =	vmul.f32 $1.131370830e+01, v7;
	[tilespmem:s28+$0xFFFFFFF0] =	vst v1  }
0x65: {  	v1 =	vld [tilespmem:s30+$0x50];
	v5 =	vmul.f32 $1.131370830e+01, v5;
	[tilespmem:s28+$0xFFFFFF80] =	vst v4;
	s28 =	sadd.s32 $0x100, s28  }
0x66: {  	v4 =	vld [tilespmem:s30+$0x60];
	v6 =	vmul.f32 $1.131370830e+01, v6;
	[tilespmem:s28+$0x70] =	vst v7  }
0x67: {  	v7 =	vld [tilespmem:s30+$0xFFFFFF90];
	[tilespmem:s28+$0x0] =	vst v5;
	v2 =	vmul.f32 $1.131370830e+01, v2  }
0x68: {  	v5 =	vld [tilespmem:s30+$0xFFFFFFA0];
	[tilespmem:s28+$0x10] =	vst v6;
	v3 =	vmul.f32 $1.131370830e+01, v3  }
0x69: {  	v6 =	vld [tilespmem:s30+$0xFFFFFFB0];
	[tilespmem:s28+$0x20] =	vst v2;
	v2 =	vmul.f32 $1.131370830e+01, v0  }
.Ltmp1:
0x6a: {  	v0 =	vld [tilespmem:s30+$0xFFFFFFC0];
	[tilespmem:s28+$0x30] =	vst v3;
	v3 =	vmul.f32 $1.131370830e+01, v1;
	(pc) =	sbr.rel @p1 .LBB2_5-.Ltmp1, $4  }
0x6b: {  	v1 =	vld [tilespmem:s30+$0xFFFFFFD0];
	[tilespmem:s28+$0x40] =	vst v2;
	v4 =	vmul.f32 $1.131370830e+01, v4  }
0x6c: {  	v2 =	vld [tilespmem:s30+$0xFFFFFFE0];
	v7 =	vmul.f32 $1.131370830e+01, v7;
	[tilespmem:s28+$0x50] =	vst v3  }
0x6d: {  	v3 =	vld [tilespmem:s30+$0xFFFFFFF0];
	v5 =	vmul.f32 $1.131370830e+01, v5;
	[tilespmem:s28+$0x60] =	vst v4  }
0x6e: {  	v4 =	vld [tilespmem:s30+$0xFFFFFF80];
	[tilespmem:s28+$0xFFFFFF90] =	vst v7;
	v6 =	vmul.f32 $1.131370830e+01, v6;
	s30 =	sadd.s32 $0x100, s30  }
0x6f: {  	[tilespmem:s28+$0xFFFFFFA0] =	vst v5;
	v0 =	vmul.f32 $1.131370830e+01, v0  }
0x70: {  	[tilespmem:s28+$0xFFFFFFB0] =	vst v6;
	v1 =	vmul.f32 $1.131370830e+01, v1  }
0x71: {  	[tilespmem:s28+$0xFFFFFFC0] =	vst v0;
	v0 =	vmul.f32 $1.131370830e+01, v2  }
0x72: {  	[tilespmem:s28+$0xFFFFFFD0] =	vst v1;
	v1 =	vmul.f32 $1.131370830e+01, v3  }
0x73: {  	s26 =	sor.u32 $0x3, s26;
	v2 =	vmul.f32 $1.131370830e+01, v4;
	[tilespmem:s28+$0xFFFFFFE0] =	vst v0  }
0x74: {  	s29 =	sshll.u32 s26, $0x7;
	[tilespmem:s28+$0xFFFFFFF0] =	vst v1  }
0x75: {  	[tilespmem:s28+$0xFFFFFF80] =	vst v2;
	s28 =	sand.u32 $0x3FFFFF80, s29  }
0x76: {  	[tilespmem:s12], [sflag:$0x2] =	stream.indirect.gather [hbm4b:s2+s10], $0x80, s28, s10, $0xb8;
	[tilespmem:$0x1E400] =	vst v63  }
0x77: {  	s28 =	sshll.u32 s24, $0xD  }
0x78: {  	s28 =	sadd.s32 s8, s28  }
0x79: {  	[hbm4b:s28+s4] =	stream.linear.scatter [tilespmem:s16], [sflag:$0x4], $0x4000, $0x38;
	[tilespmem:$0x1E400] =	vst v63  }
0x7a: {  	_ =	swait.ge [sflag:s13], $0x4000  }
0x7b: {  	[sflag:s13] =	ssyncset.done $0x0  }
0x7c: {  	s28 =	simm.s32 @!p0 $0x5;
	[sflag:s13] =	ssyncadd.s32 $0xFFFFC000  }
0x7d: {  	_ =	swait.ge @!p0 [sflag:s28], $0x4000  }
0x7e: {  	[sflag:s28] =	ssyncset.done @!p0 $0x0  }
0x7f: {  	[sflag:s28] =	ssyncadd.s32 @!p0 $0xFFFFC000;
	s28 =	simm.s32 $0x6480  }
0x80: {  	v0 =	vld [tilespmem:s28+$0x70]  }
0x81: {  	v1 =	vld [tilespmem:s28+$0x0]  }
0x82: {  	v2 =	vld [tilespmem:s28+$0x10]  }
0x83: {  	v3 =	vld [tilespmem:s28+$0x20]  }
0x84: {  	v4 =	vld [tilespmem:s28+$0x30]  }
0x85: {  	v5 =	vld [tilespmem:s28+$0x40];
	v0 =	vmul.f32 $1.131370830e+01, v0  }
0x86: {  	s29 =	simm.s32 $0x16480;
	v6 =	vld [tilespmem:s28+$0x50];
	v1 =	vmul.f32 $1.131370830e+01, v1  }
0x87: {  	v7 =	vld [tilespmem:s28+$0x60];
	v2 =	vmul.f32 $1.131370830e+01, v2;
	[tilespmem:s29+$0x70] =	vst v0  }
0x88: {  	v8 =	vld [tilespmem:s28+$0xFFFFFF90];
	[tilespmem:s29+$0x0] =	vst v1;
	v0 =	vmul.f32 $1.131370830e+01, v3  }
0x89: {  	v9 =	vld [tilespmem:s28+$0xFFFFFFA0];
	[tilespmem:s29+$0x10] =	vst v2;
	v1 =	vmul.f32 $1.131370830e+01, v4  }
0x8a: {  	v10 =	vld [tilespmem:s28+$0xFFFFFFB0];
	v2 =	vmul.f32 $1.131370830e+01, v5;
	[tilespmem:s29+$0x20] =	vst v0  }
0x8b: {  	v3 =	vmul.f32 $1.131370830e+01, v6;
	v0 =	vld [tilespmem:s28+$0xFFFFFFC0];
	[tilespmem:s29+$0x30] =	vst v1  }
0x8c: {  	v4 =	vmul.f32 $1.131370830e+01, v7;
	v1 =	vld [tilespmem:s28+$0xFFFFFFD0];
	[tilespmem:s29+$0x40] =	vst v2  }
0x8d: {  	v6 =	vmul.f32 $1.131370830e+01, v8;
	v2 =	vld [tilespmem:s28+$0xFFFFFFE0];
	[tilespmem:s29+$0x50] =	vst v3  }
0x8e: {  	v5 =	vmul.f32 $1.131370830e+01, v9;
	v3 =	vld [tilespmem:s28+$0xFFFFFFF0];
	[tilespmem:s29+$0x60] =	vst v4  }
0x8f: {  	s30 =	simm.s32 $0x6580;
	v4 =	vld [tilespmem:s28+$0xFFFFFF80];
	s28 =	simm.s32 $0x0;
	[tilespmem:s29+$0xFFFFFF90] =	vst v6;
	v6 =	vmul.f32 $1.131370830e+01, v10  }
.LBB2_7:
0x90: {  	v7 =	vld [tilespmem:s30+$0x70];
	s28 =	sadd.s32 $0x2, s28;
	[tilespmem:s29+$0xFFFFFFA0] =	vst v5;
	v0 =	vmul.f32 $1.131370830e+01, v0  }
0x91: {  	v5 =	vld [tilespmem:s30+$0x0];
	p1 =	slt.u32 s28, $0x7E;
	[tilespmem:s29+$0xFFFFFFB0] =	vst v6;
	v1 =	vmul.f32 $1.131370830e+01, v1  }
0x92: {  	v6 =	vld [tilespmem:s30+$0x10];
	[tilespmem:s29+$0xFFFFFFC0] =	vst v0;
	v0 =	vmul.f32 $1.131370830e+01, v2  }
0x93: {  	v2 =	vld [tilespmem:s30+$0x20];
	[tilespmem:s29+$0xFFFFFFD0] =	vst v1;
	v1 =	vmul.f32 $1.131370830e+01, v3  }
0x94: {  	v3 =	vld [tilespmem:s30+$0x30];
	v4 =	vmul.f32 $1.131370830e+01, v4;
	[tilespmem:s29+$0xFFFFFFE0] =	vst v0  }
0x95: {  	v0 =	vld [tilespmem:s30+$0x40];
	v7 =	vmul.f32 $1.131370830e+01, v7;
	[tilespmem:s29+$0xFFFFFFF0] =	vst v1  }
0x96: {  	v1 =	vld [tilespmem:s30+$0x50];
	v5 =	vmul.f32 $1.131370830e+01, v5;
	[tilespmem:s29+$0xFFFFFF80] =	vst v4;
	s29 =	sadd.s32 $0x100, s29  }
0x97: {  	v4 =	vld [tilespmem:s30+$0x60];
	v6 =	vmul.f32 $1.131370830e+01, v6;
	[tilespmem:s29+$0x70] =	vst v7  }
0x98: {  	v7 =	vld [tilespmem:s30+$0xFFFFFF90];
	[tilespmem:s29+$0x0] =	vst v5;
	v2 =	vmul.f32 $1.131370830e+01, v2  }
0x99: {  	v5 =	vld [tilespmem:s30+$0xFFFFFFA0];
	[tilespmem:s29+$0x10] =	vst v6;
	v3 =	vmul.f32 $1.131370830e+01, v3  }
0x9a: {  	v6 =	vld [tilespmem:s30+$0xFFFFFFB0];
	[tilespmem:s29+$0x20] =	vst v2;
	v2 =	vmul.f32 $1.131370830e+01, v0  }
.Ltmp2:
0x9b: {  	v0 =	vld [tilespmem:s30+$0xFFFFFFC0];
	[tilespmem:s29+$0x30] =	vst v3;
	v3 =	vmul.f32 $1.131370830e+01, v1;
	(pc) =	sbr.rel @p1 .LBB2_7-.Ltmp2, $4  }
0x9c: {  	v1 =	vld [tilespmem:s30+$0xFFFFFFD0];
	[tilespmem:s29+$0x40] =	vst v2;
	v4 =	vmul.f32 $1.131370830e+01, v4  }
0x9d: {  	v2 =	vld [tilespmem:s30+$0xFFFFFFE0];
	v7 =	vmul.f32 $1.131370830e+01, v7;
	[tilespmem:s29+$0x50] =	vst v3  }
0x9e: {  	v3 =	vld [tilespmem:s30+$0xFFFFFFF0];
	v5 =	vmul.f32 $1.131370830e+01, v5;
	[tilespmem:s29+$0x60] =	vst v4  }
0x9f: {  	v4 =	vld [tilespmem:s30+$0xFFFFFF80];
	[tilespmem:s29+$0xFFFFFF90] =	vst v7;
	v6 =	vmul.f32 $1.131370830e+01, v6;
	s30 =	sadd.s32 $0x100, s30  }
0xa0: {  	[tilespmem:s29+$0xFFFFFFA0] =	vst v5;
	v0 =	vmul.f32 $1.131370830e+01, v0  }
0xa1: {  	[tilespmem:s29+$0xFFFFFFB0] =	vst v6;
	v1 =	vmul.f32 $1.131370830e+01, v1  }
0xa2: {  	[tilespmem:s29+$0xFFFFFFC0] =	vst v0;
	v0 =	vmul.f32 $1.131370830e+01, v2  }
0xa3: {  	p1 =	seq.s32 s24, $0x31;
	[tilespmem:s29+$0xFFFFFFD0] =	vst v1;
	v1 =	vmul.f32 $1.131370830e+01, v3  }
0xa4: {  	s25 =	sshll.u32 s25, $0xE;
	s28 =	sshll.u32 @!p1 s24, $0x9;
	v2 =	vmul.f32 $1.131370830e+01, v4;
	[tilespmem:s29+$0xFFFFFFE0] =	vst v0  }
0xa5: {  	s30 =	simm.s32 @!p1 $0x80;
	s25 =	sadd.s32 s6, s25;
	s28 =	sand.u32 @!p1 $0x3FFFFE00, s28;
	[tilespmem:s29+$0xFFFFFFF0] =	vst v1  }
0xa6: {  	s31 =	simm.s32 @!p1 $0x6400;
	s25 =	sshrl.u32 s25, $0x3;
	[tilespmem:s29+$0xFFFFFF80] =	vst v2;
	s29 =	sadd.s32 @!p1 $0x200, s28  }
0xa7: {  	[tilespmem:s31], [sflag:$0x1] =	stream.indirect.gather @!p1 [hbm4b:s2+s30], $0x80, s29, s30, $0xb8;
	[tilespmem:$0x1E400] =	vst v63  }
0xa8: {  	s25 =	sadd.s32 s3, s25  }
0xa9: {  	[hbm4b:s25+s4] =	stream.linear.scatter [tilespmem:s17], [sflag:$0x5], $0x4000, $0x38;
	[tilespmem:$0x1E400] =	vst v63  }
0xaa: {  	_ =	swait.ge [sflag:s15], $0x4000  }
0xab: {  	[sflag:s15] =	ssyncset.done $0x0  }
0xac: {  	s25 =	simm.s32 @!p0 $0x6;
	[sflag:s15] =	ssyncadd.s32 $0xFFFFC000  }
0xad: {  	_ =	swait.ge @!p0 [sflag:s25], $0x4000  }
0xae: {  	[sflag:s25] =	ssyncset.done @!p0 $0x0  }
0xaf: {  	s29 =	simm.s32 $0xA480;
	[sflag:s25] =	ssyncadd.s32 @!p0 $0xFFFFC000  }
0xb0: {  	v0 =	vld [tilespmem:s29+$0x70]  }
0xb1: {  	v1 =	vld [tilespmem:s29+$0x0]  }
0xb2: {  	v2 =	vld [tilespmem:s29+$0x10]  }
0xb3: {  	v3 =	vld [tilespmem:s29+$0x20]  }
0xb4: {  	v4 =	vld [tilespmem:s29+$0x30]  }
0xb5: {  	v5 =	vld [tilespmem:s29+$0x40];
	v0 =	vmul.f32 $1.131370830e+01, v0  }
0xb6: {  	s25 =	simm.s32 $0x1A480;
	v6 =	vld [tilespmem:s29+$0x50];
	v1 =	vmul.f32 $1.131370830e+01, v1  }
0xb7: {  	v7 =	vld [tilespmem:s29+$0x60];
	v2 =	vmul.f32 $1.131370830e+01, v2;
	[tilespmem:s25+$0x70] =	vst v0  }
0xb8: {  	v8 =	vld [tilespmem:s29+$0xFFFFFF90];
	[tilespmem:s25+$0x0] =	vst v1;
	v0 =	vmul.f32 $1.131370830e+01, v3  }
0xb9: {  	v9 =	vld [tilespmem:s29+$0xFFFFFFA0];
	[tilespmem:s25+$0x10] =	vst v2;
	v1 =	vmul.f32 $1.131370830e+01, v4  }
0xba: {  	v10 =	vld [tilespmem:s29+$0xFFFFFFB0];
	v2 =	vmul.f32 $1.131370830e+01, v5;
	[tilespmem:s25+$0x20] =	vst v0  }
0xbb: {  	v3 =	vmul.f32 $1.131370830e+01, v6;
	v0 =	vld [tilespmem:s29+$0xFFFFFFC0];
	[tilespmem:s25+$0x30] =	vst v1  }
0xbc: {  	v4 =	vmul.f32 $1.131370830e+01, v7;
	v1 =	vld [tilespmem:s29+$0xFFFFFFD0];
	[tilespmem:s25+$0x40] =	vst v2  }
0xbd: {  	v6 =	vmul.f32 $1.131370830e+01, v8;
	v2 =	vld [tilespmem:s29+$0xFFFFFFE0];
	[tilespmem:s25+$0x50] =	vst v3  }
0xbe: {  	v5 =	vmul.f32 $1.131370830e+01, v9;
	v3 =	vld [tilespmem:s29+$0xFFFFFFF0];
	[tilespmem:s25+$0x60] =	vst v4  }
0xbf: {  	s30 =	simm.s32 $0xA580;
	v4 =	vld [tilespmem:s29+$0xFFFFFF80];
	s29 =	simm.s32 $0x0;
	[tilespmem:s25+$0xFFFFFF90] =	vst v6;
	v6 =	vmul.f32 $1.131370830e+01, v10  }
.LBB2_9:
0xc0: {  	v7 =	vld [tilespmem:s30+$0x70];
	s29 =	sadd.s32 $0x2, s29;
	[tilespmem:s25+$0xFFFFFFA0] =	vst v5;
	v0 =	vmul.f32 $1.131370830e+01, v0  }
0xc1: {  	v5 =	vld [tilespmem:s30+$0x0];
	p0 =	slt.u32 s29, $0x7E;
	[tilespmem:s25+$0xFFFFFFB0] =	vst v6;
	v1 =	vmul.f32 $1.131370830e+01, v1  }
0xc2: {  	v6 =	vld [tilespmem:s30+$0x10];
	[tilespmem:s25+$0xFFFFFFC0] =	vst v0;
	v0 =	vmul.f32 $1.131370830e+01, v2  }
0xc3: {  	v2 =	vld [tilespmem:s30+$0x20];
	[tilespmem:s25+$0xFFFFFFD0] =	vst v1;
	v1 =	vmul.f32 $1.131370830e+01, v3  }
0xc4: {  	v3 =	vld [tilespmem:s30+$0x30];
	v4 =	vmul.f32 $1.131370830e+01, v4;
	[tilespmem:s25+$0xFFFFFFE0] =	vst v0  }
0xc5: {  	v0 =	vld [tilespmem:s30+$0x40];
	v7 =	vmul.f32 $1.131370830e+01, v7;
	[tilespmem:s25+$0xFFFFFFF0] =	vst v1  }
0xc6: {  	v1 =	vld [tilespmem:s30+$0x50];
	v5 =	vmul.f32 $1.131370830e+01, v5;
	[tilespmem:s25+$0xFFFFFF80] =	vst v4;
	s25 =	sadd.s32 $0x100, s25  }
0xc7: {  	v4 =	vld [tilespmem:s30+$0x60];
	v6 =	vmul.f32 $1.131370830e+01, v6;
	[tilespmem:s25+$0x70] =	vst v7  }
0xc8: {  	v7 =	vld [tilespmem:s30+$0xFFFFFF90];
	[tilespmem:s25+$0x0] =	vst v5;
	v2 =	vmul.f32 $1.131370830e+01, v2  }
0xc9: {  	v5 =	vld [tilespmem:s30+$0xFFFFFFA0];
	[tilespmem:s25+$0x10] =	vst v6;
	v3 =	vmul.f32 $1.131370830e+01, v3  }
0xca: {  	v6 =	vld [tilespmem:s30+$0xFFFFFFB0];
	[tilespmem:s25+$0x20] =	vst v2;
	v2 =	vmul.f32 $1.131370830e+01, v0  }
.Ltmp3:
0xcb: {  	v0 =	vld [tilespmem:s30+$0xFFFFFFC0];
	[tilespmem:s25+$0x30] =	vst v3;
	v3 =	vmul.f32 $1.131370830e+01, v1;
	(pc) =	sbr.rel @p0 .LBB2_9-.Ltmp3, $4  }
0xcc: {  	v1 =	vld [tilespmem:s30+$0xFFFFFFD0];
	[tilespmem:s25+$0x40] =	vst v2;
	v4 =	vmul.f32 $1.131370830e+01, v4  }
0xcd: {  	v2 =	vld [tilespmem:s30+$0xFFFFFFE0];
	v7 =	vmul.f32 $1.131370830e+01, v7;
	[tilespmem:s25+$0x50] =	vst v3  }
0xce: {  	v3 =	vld [tilespmem:s30+$0xFFFFFFF0];
	v5 =	vmul.f32 $1.131370830e+01, v5;
	[tilespmem:s25+$0x60] =	vst v4  }
0xcf: {  	v4 =	vld [tilespmem:s30+$0xFFFFFF80];
	[tilespmem:s25+$0xFFFFFF90] =	vst v7;
	v6 =	vmul.f32 $1.131370830e+01, v6;
	s30 =	sadd.s32 $0x100, s30  }
0xd0: {  	[tilespmem:s25+$0xFFFFFFA0] =	vst v5;
	v0 =	vmul.f32 $1.131370830e+01, v0  }
0xd1: {  	[tilespmem:s25+$0xFFFFFFB0] =	vst v6;
	v1 =	vmul.f32 $1.131370830e+01, v1  }
0xd2: {  	[tilespmem:s25+$0xFFFFFFC0] =	vst v0;
	v61 =	vmul.f32 $1.131370830e+01, v2  }
0xd3: {  	[tilespmem:s25+$0xFFFFFFD0] =	vst v1;
	v62 =	vmul.f32 $1.131370830e+01, v3  }
0xd4: {  	v63 =	vmul.f32 $1.131370830e+01, v4;
	[tilespmem:s25+$0xFFFFFFE0] =	vst v61  }
0xd5: {  	s29 =	simm.s32 @!p1 $0xA400;
	s24 =	sadd.s32 $0x1, s24;
	[tilespmem:s25+$0xFFFFFFF0] =	vst v62  }
0xd6: {  	p0 =	sne.s32 s24, $0x32;
	[tilespmem:s25+$0xFFFFFF80] =	vst v63;
	s25 =	sadd.s32 @!p1 $0x280, s28;
	s28 =	simm.s32 @!p1 $0x80  }
0xd7: {  	[tilespmem:s29], [sflag:$0x2] =	stream.indirect.gather @!p1 [hbm4b:s2+s28], $0x80, s25, s28, $0xb8;
	[tilespmem:$0x1E400] =	vst v63  }
.Ltmp4:
0xd8: {  	s31 =	sshll.u32 s26, $0xE;
	(pc) =	sbr.rel @p0 .LBB2_2-.Ltmp4, $4  }
0xd9: {  	s25 =	sadd.s32 s6, s31  }
0xda: {  	s25 =	sshrl.u32 s25, $0x3  }
0xdb: {  	s25 =	sadd.s32 s3, s25  }
0xdc: {  	[hbm4b:s25+s4] =	stream.linear.scatter [tilespmem:s18], [sflag:$0x6], $0x4000, $0x38;
	[tilespmem:$0x1E400] =	vst v63  }
0xdd: {  	_ =	swait.ge [sflag:s19], $0x4000  }
0xde: {  	[sflag:s19] =	ssyncset.done $0x0  }
0xdf: {  	[sflag:s19] =	ssyncadd.s32 $0xFFFFC000  }
0xe0: {  	_ =	swait.ge [sflag:s20], $0x4000  }
0xe1: {  	[sflag:s20] =	ssyncset.done $0x0  }
0xe2: {  	s23 =	sadd.s32 $0x1, s23;
	[sflag:s20] =	ssyncadd.s32 $0xFFFFC000  }
0xe3: {  	p0 =	sne.s32 s23, s7;
	_ =	swait.ge [sflag:s21], $0x4000  }
.Ltmp5:
0xe4: {  	[sflag:s21] =	ssyncset.done $0x0;
	(pc) =	sbr.rel @p0 .LBB2_1-.Ltmp5, $4  }
0xe5: {  	[sflag:s21] =	ssyncadd.s32 $0xFFFFC000  }
0xe6: {  	_ =	swait.ge [sflag:s22], $0x4000  }
0xe7: {  	[sflag:s22] =	ssyncset.done $0x0  }
0xe8: {  	[sflag:s22] =	ssyncadd.s32 $0xFFFFC000  }
0xe9: {  	_ =	sfence.sel $0x180000  }
0xea: {  	[bflag:$0x0] =	sbarrier.arrive $0xFFFF  }
0xeb: {  	p0 =	sne.s32 s0, $0x0;
	_ =	strace $0x90000047  }
0xec: {  	s0 =	sadd.s32 @!p0 $0x100000, s1;
	[bflag:$0x2] =	sbarrier.arrive $0xFFFF  }
0xed: {  	[sflag:s0] =	ssyncadd.tile.s32 @!p0 $0x1;
	_ =	shalt  }
.Lfunc_end2:
_tile_overlayer_lowered:
.L_overlay_start_2:
0xee: {  	(tag) =	ssettag $0x2  }
0xef: {  	s0 =	rddreg [dreg:$0x0];
	s2 =	stileid.u32  }
0xf0: {  	s1 =	rddreg [dreg:$0x1];
	p0 =	sne.s32 s2, $0x0  }
0xf1: {  	s3 =	rddreg [dreg:$0x2];
	[bflag:$0x3] =	sbarrier.arrive $0xFFFF;
	s2 =	simm.s32 @!p0 $0x1C07  }
0xf2: {  	[timem:s3], [sflag:s2] =	dma.local @!p0 [hbm:s0], s1  }
0xf3: {  	s0 =	simm.s32 @!p0 $0x7  }
0xf4: {  	_ =	swait.ge @!p0 [sflag:s0], s1  }
0xf5: {  	s1 =	ssub.s32 @!p0 $0x0, s1;
	[sflag:s0] =	ssyncset.done @!p0 $0x0  }
0xf6: {  	[sflag:s0] =	ssyncadd.s32 @!p0 s1  }
0xf7: {  	[bflag:$0x3] =	sbarrier.arrive $0xFFFF  }
0xf8: {  	_ =	shalt  }

</sc_bundles>
